<compile_context>
chip_gen: v7x
topology: tpu7x:2x2x1
jax: 0.10.2.dev20260603
libtpu: 0.0.44.dev20260713+nightly
codegen_flags: <defaults>
</compile_context>

<pallas_src>
import functools

import jax
import jax.numpy as jnp
from jax import lax
from jax.experimental import pallas as pl
from jax.experimental.pallas import tpu as pltpu
from jax.experimental.pallas import tpu_sc as plsc

NUM_NODES = 100000
MEM_DIM = 256
HID = 128
B = 16384

NC = 2
NS = 16
NW = NC * NS
CHUNK = 128

CHUNK_ROWS = (6144, 10240)
BLK = 2048


def _sc_gather(memory, idx, nrows):
    rows_per_w = nrows // NW
    nchunk = rows_per_w // CHUNK
    idx3 = idx.reshape(NW, nchunk, CHUNK)
    mesh = plsc.VectorSubcoreMesh(
        core_axis_name="c", subcore_axis_name="s", num_cores=NC, num_subcores=NS
    )

    @functools.partial(
        pl.kernel,
        out_type=jax.ShapeDtypeStruct((nrows, MEM_DIM), jnp.float32),
        mesh=mesh,
        scratch_types=[
            pltpu.VMEM((nchunk, CHUNK), jnp.int32),
            pltpu.VMEM((CHUNK, MEM_DIM), jnp.float32),
            pltpu.VMEM((CHUNK, MEM_DIM), jnp.float32),
            pltpu.SemaphoreType.DMA,
            pltpu.SemaphoreType.DMA,
            pltpu.SemaphoreType.DMA,
            pltpu.SemaphoreType.DMA,
        ],
    )
    def gather_kernel(mem_hbm, idx_hbm, out_hbm, idx_v, rows0, rows1,
                      gsem0, gsem1, wsem0, wsem1):
        wid = lax.axis_index("s") * NC + lax.axis_index("c")
        pltpu.sync_copy(idx_hbm.at[wid], idx_v)
        base = wid * rows_per_w
        bufs = (rows0, rows1)
        gsems = (gsem0, gsem1)
        wsems = (wsem0, wsem1)
        gd = [None] * nchunk
        wd = [None] * nchunk
        gd[0] = pltpu.async_copy(mem_hbm.at[idx_v.at[0]], bufs[0], gsems[0])
        for c in range(nchunk):
            p = c % 2
            gd[c].wait()
            wd[c] = pltpu.async_copy(
                bufs[p], out_hbm.at[pl.ds(base + c * CHUNK, CHUNK)], wsems[p])
            if c + 1 < nchunk:
                if c >= 1:
                    wd[c - 1].wait()
                gd[c + 1] = pltpu.async_copy(
                    mem_hbm.at[idx_v.at[c + 1]], bufs[(c + 1) % 2],
                    gsems[(c + 1) % 2])
        if nchunk >= 2:
            wd[nchunk - 2].wait()
        wd[nchunk - 1].wait()

    return gather_kernel(memory, idx3)


def _tc_body(src_ref, dst_ref, t_ref,
             w1s_ref, w1d_ref, w1t_ref, b1_ref, w2_ref, b2_ref,
             wih_ref, bih_ref, whh_ref, bhh_ref,
             p1a_ref, p1b_ref, pb1_ref, p2_ref, pb2_ref,
             score_in, ns_in, nd_in,
             score_ref, ns_ref, nd_ref):
    del score_in, ns_in, nd_in
    s = src_ref[...]
    d = dst_ref[...]
    t = t_ref[...]

    bf = jnp.bfloat16
    f32 = jnp.float32
    dot = lambda a, b: jax.lax.dot(a.astype(bf), b.astype(bf),
                                   preferred_element_type=f32)
    h = dot(s, w1s_ref[...]) + dot(d, w1d_ref[...]) + t * w1t_ref[...] + b1_ref[...]
    h = jnp.maximum(h, 0.0)
    msg = dot(h, w2_ref[...]) + b2_ref[...]

    gi = (dot(msg, wih_ref[...]) + bih_ref[...]).astype(bf)
    gh_s = (dot(s, whh_ref[...]) + bhh_ref[...]).astype(bf)
    gh_d = (dot(d, whh_ref[...]) + bhh_ref[...]).astype(bf)

    half = jnp.bfloat16(0.5)

    def gru(gi, gh, hprev):
        i_r = gi[:, :MEM_DIM]
        i_z = gi[:, MEM_DIM:2 * MEM_DIM]
        i_n = gi[:, 2 * MEM_DIM:]
        h_r = gh[:, :MEM_DIM]
        h_z = gh[:, MEM_DIM:2 * MEM_DIM]
        h_n = gh[:, 2 * MEM_DIM:]
        r = half * jnp.tanh(i_r + h_r) + half
        z = half * jnp.tanh(i_z + h_z) + half
        n = jnp.tanh(i_n + r * h_n)
        return n + z * (hprev.astype(bf) - n)

    new_s = gru(gi, gh_s, s).astype(f32)
    new_d = gru(gi, gh_d, d).astype(f32)
    ns_ref[...] = new_s
    nd_ref[...] = new_d

    ph = dot(new_s, p1a_ref[...]) + dot(new_d, p1b_ref[...]) + pb1_ref[...]
    ph = jnp.maximum(ph, 0.0)
    score_row = (
        jax.lax.dot_general(p2_ref[...].astype(bf), ph.astype(bf),
                            (((1,), (1,)), ((), ())),
                            preferred_element_type=f32)
        + pb2_ref[...])
    score_ref[...] = score_row.reshape(score_ref.shape)


def _make_tc_call(row_off, bc, aliased):
    nblk = bc // BLK
    off = row_off // BLK
    crow = lambda i: (i, 0)
    cdst = lambda i: (i + nblk, 0)
    grow = lambda i: (i + off, 0)
    const = lambda i: (0, 0)
    any_spec = pl.BlockSpec(memory_space=pl.ANY)
    in_specs = [
        pl.BlockSpec((BLK, MEM_DIM), crow),
        pl.BlockSpec((BLK, MEM_DIM), cdst),
        pl.BlockSpec((BLK, 1), grow),
        pl.BlockSpec((MEM_DIM, HID), const),
        pl.BlockSpec((MEM_DIM, HID), const),
        pl.BlockSpec((1, HID), const),
        pl.BlockSpec((1, HID), const),
        pl.BlockSpec((HID, MEM_DIM), const),
        pl.BlockSpec((1, MEM_DIM), const),
        pl.BlockSpec((MEM_DIM, 3 * MEM_DIM), const),
        pl.BlockSpec((1, 3 * MEM_DIM), const),
        pl.BlockSpec((MEM_DIM, 3 * MEM_DIM), const),
        pl.BlockSpec((1, 3 * MEM_DIM), const),
        pl.BlockSpec((MEM_DIM, HID), const),
        pl.BlockSpec((MEM_DIM, HID), const),
        pl.BlockSpec((1, HID), const),
        pl.BlockSpec((1, HID), const),
        pl.BlockSpec((1, 1), const),
    ]
    if aliased:
        in_specs += [any_spec, any_spec, any_spec]
    out_specs = [
        pl.BlockSpec((1, 1, BLK), lambda i: (i + off, 0, 0)),
        pl.BlockSpec((BLK, MEM_DIM), grow),
        pl.BlockSpec((BLK, MEM_DIM), grow),
    ]
    out_shape = [
        jax.ShapeDtypeStruct((B // BLK, 1, BLK), jnp.float32),
        jax.ShapeDtypeStruct((B, MEM_DIM), jnp.float32),
        jax.ShapeDtypeStruct((B, MEM_DIM), jnp.float32),
    ]
    if aliased:
        body = _tc_body
    else:
        def body(*args):
            return _tc_body(*args[:18], None, None, None, *args[18:])
    return pl.pallas_call(
        body,
        grid=(nblk,),
        in_specs=in_specs,
        out_specs=out_specs,
        out_shape=out_shape,
        input_output_aliases={18: 0, 19: 1, 20: 2} if aliased else {},
        compiler_params=pltpu.CompilerParams(
            dimension_semantics=("arbitrary",),
        ),
    )


def kernel(src, dst, time, memory, mmlp_w1, mmlp_b1, mmlp_w2, mmlp_b2,
           gru_w_ih, gru_w_hh, gru_b_ih, gru_b_hh,
           pred_w1, pred_b1, pred_w2, pred_b2):
    src = src.astype(jnp.int32)
    dst = dst.astype(jnp.int32)
    t = time.reshape(B, 1)
    w1s = mmlp_w1[:, :MEM_DIM].T
    w1d = mmlp_w1[:, MEM_DIM:2 * MEM_DIM].T
    w1t = mmlp_w1[:, 2 * MEM_DIM].reshape(1, HID)
    b1 = mmlp_b1.reshape(1, HID)
    w2 = mmlp_w2.T
    b2 = mmlp_b2.reshape(1, MEM_DIM)
    gate_scale = jnp.concatenate(
        [jnp.full((1, 2 * MEM_DIM), 0.5, jnp.float32),
         jnp.ones((1, MEM_DIM), jnp.float32)], axis=1)
    wih = gru_w_ih.T * gate_scale
    bih = gru_b_ih.reshape(1, 3 * MEM_DIM) * gate_scale
    whh = gru_w_hh.T * gate_scale
    bhh = gru_b_hh.reshape(1, 3 * MEM_DIM) * gate_scale
    p1a = pred_w1[:, :MEM_DIM].T
    p1b = pred_w1[:, MEM_DIM:].T
    pb1 = pred_b1.reshape(1, HID)
    p2 = pred_w2.reshape(1, HID)
    pb2 = pred_b2.reshape(1, 1)

    offs = [0]
    for bc in CHUNK_ROWS[:-1]:
        offs.append(offs[-1] + bc)

    staged = []
    for off, bc in zip(offs, CHUNK_ROWS):
        idx_k = jnp.concatenate(
            [lax.dynamic_slice_in_dim(src, off, bc),
             lax.dynamic_slice_in_dim(dst, off, bc)])
        staged.append(_sc_gather(memory, idx_k, 2 * bc))

    weights = (w1s, w1d, w1t, b1, w2, b2, wih, bih, whh, bhh,
               p1a, p1b, pb1, p2, pb2)
    score = ns = nd = None
    for k, (off, bc) in enumerate(zip(offs, CHUNK_ROWS)):
        if k == 0:
            score, ns, nd = _make_tc_call(off, bc, aliased=False)(
                staged[k], staged[k], t, *weights)
        else:
            score, ns, nd = _make_tc_call(off, bc, aliased=True)(
                staged[k], staged[k], t, *weights, score, ns, nd)
    return (score.reshape(B, 1), ns, nd)

# --- scband reference (transcript-rebuilt; emitter-appended) ---
"""Pipeline reference for scband-tgn-3959959847021 (READ-ONLY COPY).

The authoritative reference and input builder live on the scoring server;
editing this copy changes nothing except your own understanding.
"""

import jax, jax.numpy as jnp
import numpy as np

NUM_NODES = 100000
MEM_DIM = 256
HID = 128
B = 16384


def _gru_cell(x, h, w_ih, w_hh, b_ih, b_hh):
    gi = x @ w_ih.T + b_ih
    gh = h @ w_hh.T + b_hh
    i_r, i_z, i_n = jnp.split(gi, 3, axis=1)
    h_r, h_z, h_n = jnp.split(gh, 3, axis=1)
    r = jax.nn.sigmoid(i_r + h_r)
    z = jax.nn.sigmoid(i_z + h_z)
    n = jnp.tanh(i_n + r * h_n)
    return (1.0 - z) * n + z * h


def setup_inputs(seed: int = 0) -> dict:
    key = jax.random.key(seed)
    ks = [jax.random.fold_in(key, i) for i in range(20)]
    src = jax.random.randint(ks[0], (B,), 0, NUM_NODES, dtype=jnp.int64 if jax.config.jax_enable_x64 else jnp.int32).astype(jnp.int32)
    dst = jax.random.randint(ks[1], (B,), 0, NUM_NODES, dtype=jnp.int32)
    time = jax.random.uniform(ks[2], (B,), dtype=jnp.float32)
    # memory buffer (registered as zeros in torch; use small random so math is nontrivial)
    memory = jax.random.normal(ks[3], (NUM_NODES, MEM_DIM), dtype=jnp.float32) * 0.1
    # message MLP: Linear(2*MEM_DIM+1 -> 128), ReLU, Linear(128 -> MEM_DIM)
    mmlp_w1 = jax.random.normal(ks[4], (HID, 2 * MEM_DIM + 1), dtype=jnp.float32) * 0.05
    mmlp_b1 = jnp.zeros((HID,), dtype=jnp.float32)
    mmlp_w2 = jax.random.normal(ks[5], (MEM_DIM, HID), dtype=jnp.float32) * 0.05
    mmlp_b2 = jnp.zeros((MEM_DIM,), dtype=jnp.float32)
    # GRUCell(MEM_DIM, MEM_DIM)
    gru_w_ih = jax.random.normal(ks[6], (3 * MEM_DIM, MEM_DIM), dtype=jnp.float32) * 0.05
    gru_w_hh = jax.random.normal(ks[7], (3 * MEM_DIM, MEM_DIM), dtype=jnp.float32) * 0.05
    gru_b_ih = jnp.zeros((3 * MEM_DIM,), dtype=jnp.float32)
    gru_b_hh = jnp.zeros((3 * MEM_DIM,), dtype=jnp.float32)
    # predictor: Linear(2*MEM_DIM -> 128), ReLU, Linear(128 -> 1)
    pred_w1 = jax.random.normal(ks[8], (HID, 2 * MEM_DIM), dtype=jnp.float32) * 0.05
    pred_b1 = jnp.zeros((HID,), dtype=jnp.float32)
    pred_w2 = jax.random.normal(ks[9], (1, HID), dtype=jnp.float32) * 0.05
    pred_b2 = jnp.zeros((1,), dtype=jnp.float32)
    return {
        "src": src, "dst": dst, "time": time, "memory": memory,
        "mmlp_w1": mmlp_w1, "mmlp_b1": mmlp_b1, "mmlp_w2": mmlp_w2, "mmlp_b2": mmlp_b2,
        "gru_w_ih": gru_w_ih, "gru_w_hh": gru_w_hh, "gru_b_ih": gru_b_ih, "gru_b_hh": gru_b_hh,
        "pred_w1": pred_w1, "pred_b1": pred_b1, "pred_w2": pred_w2, "pred_b2": pred_b2,
    }


def reference(src, dst, time, memory, mmlp_w1, mmlp_b1, mmlp_w2, mmlp_b2,
              gru_w_ih, gru_w_hh, gru_b_ih, gru_b_hh,
              pred_w1, pred_b1, pred_w2, pred_b2):
    src_mem = jnp.take(memory, src, axis=0)
    dst_mem = jnp.take(memory, dst, axis=0)
    t = time.reshape(-1, 1)
    message_input = jnp.concatenate([src_mem, dst_mem, t], axis=1)
    h = jax.nn.relu(message_input @ mmlp_w1.T + mmlp_b1)
    message = h @ mmlp_w2.T + mmlp_b2
    new_src = _gru_cell(message, src_mem, gru_w_ih, gru_w_hh, gru_b_ih, gru_b_hh)
    new_dst = _gru_cell(message, dst_mem, gru_w_ih, gru_w_hh, gru_b_ih, gru_b_hh)
    # in-place detached memory writes (side effect in torch; computed here for parity of ops)
    _ = memory.at[src].set(jax.lax.stop_gradient(new_src)).at[dst].set(jax.lax.stop_gradient(new_dst))
    edge_input = jnp.concatenate([new_src, new_dst], axis=1)
    ph = jax.nn.relu(edge_input @ pred_w1.T + pred_b1)
    score = ph @ pred_w2.T + pred_b2
    return (score, new_src, new_dst)

if __name__ == "__main__":
    import jax
    _d = setup_inputs()
    print(jax.jit(kernel)(*tuple(_d.values())))

</pallas_src>

<mosaic_0001>
#map = affine_map<(d0, d1) -> (0, 0)>
#map1 = affine_map<(d0, d1) -> (0, 0, 0)>
module attributes {stable_mosaic.version = 14 : i64} {
  func.func @gather_kernel(%arg0: i32, %arg1: i32, %arg2: memref<100000x256xf32, #tpu.memory_space<hbm>>, %arg3: memref<32x5x128xi32, #tpu.memory_space<hbm>>, %arg4: memref<20480x256xf32, #tpu.memory_space<hbm>>, %arg5: memref<5x128xi32, #tpu.memory_space<vmem>>, %arg6: memref<128x256xf32, #tpu.memory_space<vmem>>, %arg7: memref<128x256xf32, #tpu.memory_space<vmem>>, %arg8: memref<!tpu.dma_semaphore, #tpu.memory_space<semaphore_mem>>, %arg9: memref<!tpu.dma_semaphore, #tpu.memory_space<semaphore_mem>>, %arg10: memref<!tpu.dma_semaphore, #tpu.memory_space<semaphore_mem>>, %arg11: memref<!tpu.dma_semaphore, #tpu.memory_space<semaphore_mem>>) attributes {dimension_semantics = [#tpu.dimension_semantics<core_parallel>, #tpu.dimension_semantics<subcore_parallel>], iteration_bounds = array<i64: 2, 16>, scalar_prefetch = 0 : i64, scratch_operands = 7 : i64, tpu.core_type = #tpu.core_type<sc_vector_subcore>, window_params = [{transform_indices = #map}, {transform_indices = #map1}, {transform_indices = #map}]} {
    %mul3A = arith.constant 2 : i32
    %mul3A_0 = arith.muli %arg1, %mul3A : i32
    %add3A = arith.addi %mul3A_0, %arg0 : i32
    "tpu.region"() ({
      %run_scoped3A = tpu.sem_alloc : memref<!tpu.dma_semaphore, #tpu.memory_space<semaphore_mem>>
      %dma_start3A_121 = arith.constant 0 : i32
      %dma_start3A_122 = arith.constant 0 : i32
      %dma_start3A_123 = tpu.memref_slice %arg3[%add3A, %dma_start3A_121, %dma_start3A_122] : memref<32x5x128xi32, #tpu.memory_space<hbm>> -> memref<1x5x128xi32, #tpu.memory_space<hbm>>
      %dma_start3A_124 = tpu.memref_squeeze %dma_start3A_123 : memref<1x5x128xi32, #tpu.memory_space<hbm>> -> memref<5x128xi32, #tpu.memory_space<hbm>>
      %dma_start3A_125 = arith.constant 0 : i32
      %dma_start3A_126 = arith.constant 0 : i32
      %dma_start3A_127 = tpu.memref_slice %arg3[%add3A, %dma_start3A_125, %dma_start3A_126] : memref<32x5x128xi32, #tpu.memory_space<hbm>> -> memref<1x5x128xi32, #tpu.memory_space<hbm>>
      %dma_start3A_128 = tpu.memref_squeeze %dma_start3A_127 : memref<1x5x128xi32, #tpu.memory_space<hbm>> -> memref<5x128xi32, #tpu.memory_space<hbm>>
      tpu.enqueue_dma source(%dma_start3A_128 : memref<5x128xi32, #tpu.memory_space<hbm>>) target(%arg5 : memref<5x128xi32, #tpu.memory_space<vmem>>) target_semaphore(%run_scoped3A : memref<!tpu.dma_semaphore, #tpu.memory_space<semaphore_mem>>)
      %dma_wait3A_129 = arith.constant 0 : i32
      %dma_wait3A_130 = arith.constant 0 : i32
      %dma_wait3A_131 = tpu.memref_slice %arg3[%add3A, %dma_wait3A_129, %dma_wait3A_130] : memref<32x5x128xi32, #tpu.memory_space<hbm>> -> memref<1x5x128xi32, #tpu.memory_space<hbm>>
      %dma_wait3A_132 = tpu.memref_squeeze %dma_wait3A_131 : memref<1x5x128xi32, #tpu.memory_space<hbm>> -> memref<5x128xi32, #tpu.memory_space<hbm>>
      %dma_wait3A_133 = arith.constant 0 : i32
      %dma_wait3A_134 = arith.constant 0 : i32
      %dma_wait3A_135 = tpu.memref_slice %arg3[%add3A, %dma_wait3A_133, %dma_wait3A_134] : memref<32x5x128xi32, #tpu.memory_space<hbm>> -> memref<1x5x128xi32, #tpu.memory_space<hbm>>
      %dma_wait3A_136 = tpu.memref_squeeze %dma_wait3A_135 : memref<1x5x128xi32, #tpu.memory_space<hbm>> -> memref<5x128xi32, #tpu.memory_space<hbm>>
      tpu.wait_dma2 semaphore(%run_scoped3A : memref<!tpu.dma_semaphore, #tpu.memory_space<semaphore_mem>>) src(%dma_wait3A_136 : memref<5x128xi32, #tpu.memory_space<hbm>>) dst(%arg5 : memref<5x128xi32, #tpu.memory_space<vmem>>)
      tpu.yield
    }) : () -> ()
    %mul3A_1 = arith.constant 640 : i32
    %mul3A_2 = arith.muli %add3A, %mul3A_1 : i32
    %dma_start3A = arith.constant 0 : i32
    %dma_start3A_3 = arith.constant 0 : i32
    %dma_start3A_4 = tpu.memref_slice %arg5[%dma_start3A, %dma_start3A_3] : memref<5x128xi32, #tpu.memory_space<vmem>> -> memref<1x128xi32, #tpu.memory_space<vmem>>
    %dma_start3A_5 = tpu.memref_squeeze %dma_start3A_4 : memref<1x128xi32, #tpu.memory_space<vmem>> -> memref<128xi32, #tpu.memory_space<vmem>>
    %dma_start3A_6 = arith.constant 0 : i32
    %dma_start3A_7 = arith.constant 0 : i32
    %dma_start3A_8 = tpu.memref_slice %arg2[%dma_start3A_6, %dma_start3A_7] : memref<100000x256xf32, #tpu.memory_space<hbm>> -> memref<100000x256xf32, #tpu.memory_space<hbm>>
    tpu.enqueue_indirect_dma source(%dma_start3A_8 : memref<100000x256xf32, #tpu.memory_space<hbm>>) target(%arg6 : memref<128x256xf32, #tpu.memory_space<vmem>>) offsets(%dma_start3A_5 : memref<128xi32, #tpu.memory_space<vmem>>) semaphore(%arg8 : memref<!tpu.dma_semaphore, #tpu.memory_space<semaphore_mem>>)
    %dma_wait3A = arith.constant 0 : i32
    %dma_wait3A_9 = arith.constant 0 : i32
    %dma_wait3A_10 = tpu.memref_slice %arg5[%dma_wait3A, %dma_wait3A_9] : memref<5x128xi32, #tpu.memory_space<vmem>> -> memref<1x128xi32, #tpu.memory_space<vmem>>
    %dma_wait3A_11 = tpu.memref_squeeze %dma_wait3A_10 : memref<1x128xi32, #tpu.memory_space<vmem>> -> memref<128xi32, #tpu.memory_space<vmem>>
    %dma_wait3A_12 = arith.constant 0 : i32
    %dma_wait3A_13 = arith.constant 0 : i32
    %dma_wait3A_14 = tpu.memref_slice %arg2[%dma_wait3A_12, %dma_wait3A_13] : memref<100000x256xf32, #tpu.memory_space<hbm>> -> memref<100000x256xf32, #tpu.memory_space<hbm>>
    tpu.wait_indirect_dma semaphore(%arg8 : memref<!tpu.dma_semaphore, #tpu.memory_space<semaphore_mem>>) src(%dma_wait3A_14 : memref<100000x256xf32, #tpu.memory_space<hbm>>) dst(%arg6 : memref<128x256xf32, #tpu.memory_space<vmem>>)
    %add3A_15 = arith.constant 0 : i32
    %add3A_16 = arith.addi %mul3A_2, %add3A_15 : i32
    %dma_start3A_17 = arith.constant 0 : i32
    %dma_start3A_18 = tpu.memref_slice %arg4[%add3A_16, %dma_start3A_17] : memref<20480x256xf32, #tpu.memory_space<hbm>> -> memref<128x256xf32, #tpu.memory_space<hbm>>
    %dma_start3A_19 = arith.constant 0 : i32
    %dma_start3A_20 = tpu.memref_slice %arg4[%add3A_16, %dma_start3A_19] : memref<20480x256xf32, #tpu.memory_space<hbm>> -> memref<128x256xf32, #tpu.memory_space<hbm>>
    tpu.enqueue_dma source(%arg6 : memref<128x256xf32, #tpu.memory_space<vmem>>) target(%dma_start3A_20 : memref<128x256xf32, #tpu.memory_space<hbm>>) target_semaphore(%arg10 : memref<!tpu.dma_semaphore, #tpu.memory_space<semaphore_mem>>)
    %dma_start3A_21 = arith.constant 1 : i32
    %dma_start3A_22 = arith.constant 0 : i32
    %dma_start3A_23 = tpu.memref_slice %arg5[%dma_start3A_21, %dma_start3A_22] : memref<5x128xi32, #tpu.memory_space<vmem>> -> memref<1x128xi32, #tpu.memory_space<vmem>>
    %dma_start3A_24 = tpu.memref_squeeze %dma_start3A_23 : memref<1x128xi32, #tpu.memory_space<vmem>> -> memref<128xi32, #tpu.memory_space<vmem>>
    %dma_start3A_25 = arith.constant 0 : i32
    %dma_start3A_26 = arith.constant 0 : i32
    %dma_start3A_27 = tpu.memref_slice %arg2[%dma_start3A_25, %dma_start3A_26] : memref<100000x256xf32, #tpu.memory_space<hbm>> -> memref<100000x256xf32, #tpu.memory_space<hbm>>
    tpu.enqueue_indirect_dma source(%dma_start3A_27 : memref<100000x256xf32, #tpu.memory_space<hbm>>) target(%arg7 : memref<128x256xf32, #tpu.memory_space<vmem>>) offsets(%dma_start3A_24 : memref<128xi32, #tpu.memory_space<vmem>>) semaphore(%arg9 : memref<!tpu.dma_semaphore, #tpu.memory_space<semaphore_mem>>)
    %dma_wait3A_28 = arith.constant 1 : i32
    %dma_wait3A_29 = arith.constant 0 : i32
    %dma_wait3A_30 = tpu.memref_slice %arg5[%dma_wait3A_28, %dma_wait3A_29] : memref<5x128xi32, #tpu.memory_space<vmem>> -> memref<1x128xi32, #tpu.memory_space<vmem>>
    %dma_wait3A_31 = tpu.memref_squeeze %dma_wait3A_30 : memref<1x128xi32, #tpu.memory_space<vmem>> -> memref<128xi32, #tpu.memory_space<vmem>>
    %dma_wait3A_32 = arith.constant 0 : i32
    %dma_wait3A_33 = arith.constant 0 : i32
    %dma_wait3A_34 = tpu.memref_slice %arg2[%dma_wait3A_32, %dma_wait3A_33] : memref<100000x256xf32, #tpu.memory_space<hbm>> -> memref<100000x256xf32, #tpu.memory_space<hbm>>
    tpu.wait_indirect_dma semaphore(%arg9 : memref<!tpu.dma_semaphore, #tpu.memory_space<semaphore_mem>>) src(%dma_wait3A_34 : memref<100000x256xf32, #tpu.memory_space<hbm>>) dst(%arg7 : memref<128x256xf32, #tpu.memory_space<vmem>>)
    %add3A_35 = arith.constant 128 : i32
    %add3A_36 = arith.addi %mul3A_2, %add3A_35 : i32
    %dma_start3A_37 = arith.constant 0 : i32
    %dma_start3A_38 = tpu.memref_slice %arg4[%add3A_36, %dma_start3A_37] : memref<20480x256xf32, #tpu.memory_space<hbm>> -> memref<128x256xf32, #tpu.memory_space<hbm>>
    %dma_start3A_39 = arith.constant 0 : i32
    %dma_start3A_40 = tpu.memref_slice %arg4[%add3A_36, %dma_start3A_39] : memref<20480x256xf32, #tpu.memory_space<hbm>> -> memref<128x256xf32, #tpu.memory_space<hbm>>
    tpu.enqueue_dma source(%arg7 : memref<128x256xf32, #tpu.memory_space<vmem>>) target(%dma_start3A_40 : memref<128x256xf32, #tpu.memory_space<hbm>>) target_semaphore(%arg11 : memref<!tpu.dma_semaphore, #tpu.memory_space<semaphore_mem>>)
    %dma_wait3A_41 = arith.constant 0 : i32
    %dma_wait3A_42 = tpu.memref_slice %arg4[%add3A_16, %dma_wait3A_41] : memref<20480x256xf32, #tpu.memory_space<hbm>> -> memref<128x256xf32, #tpu.memory_space<hbm>>
    %dma_wait3A_43 = arith.constant 0 : i32
    %dma_wait3A_44 = tpu.memref_slice %arg4[%add3A_16, %dma_wait3A_43] : memref<20480x256xf32, #tpu.memory_space<hbm>> -> memref<128x256xf32, #tpu.memory_space<hbm>>
    tpu.wait_dma2 semaphore(%arg10 : memref<!tpu.dma_semaphore, #tpu.memory_space<semaphore_mem>>) src(%arg6 : memref<128x256xf32, #tpu.memory_space<vmem>>) dst(%dma_wait3A_44 : memref<128x256xf32, #tpu.memory_space<hbm>>)
    %dma_start3A_45 = arith.constant 2 : i32
    %dma_start3A_46 = arith.constant 0 : i32
    %dma_start3A_47 = tpu.memref_slice %arg5[%dma_start3A_45, %dma_start3A_46] : memref<5x128xi32, #tpu.memory_space<vmem>> -> memref<1x128xi32, #tpu.memory_space<vmem>>
    %dma_start3A_48 = tpu.memref_squeeze %dma_start3A_47 : memref<1x128xi32, #tpu.memory_space<vmem>> -> memref<128xi32, #tpu.memory_space<vmem>>
    %dma_start3A_49 = arith.constant 0 : i32
    %dma_start3A_50 = arith.constant 0 : i32
    %dma_start3A_51 = tpu.memref_slice %arg2[%dma_start3A_49, %dma_start3A_50] : memref<100000x256xf32, #tpu.memory_space<hbm>> -> memref<100000x256xf32, #tpu.memory_space<hbm>>
    tpu.enqueue_indirect_dma source(%dma_start3A_51 : memref<100000x256xf32, #tpu.memory_space<hbm>>) target(%arg6 : memref<128x256xf32, #tpu.memory_space<vmem>>) offsets(%dma_start3A_48 : memref<128xi32, #tpu.memory_space<vmem>>) semaphore(%arg8 : memref<!tpu.dma_semaphore, #tpu.memory_space<semaphore_mem>>)
    %dma_wait3A_52 = arith.constant 2 : i32
    %dma_wait3A_53 = arith.constant 0 : i32
    %dma_wait3A_54 = tpu.memref_slice %arg5[%dma_wait3A_52, %dma_wait3A_53] : memref<5x128xi32, #tpu.memory_space<vmem>> -> memref<1x128xi32, #tpu.memory_space<vmem>>
    %dma_wait3A_55 = tpu.memref_squeeze %dma_wait3A_54 : memref<1x128xi32, #tpu.memory_space<vmem>> -> memref<128xi32, #tpu.memory_space<vmem>>
    %dma_wait3A_56 = arith.constant 0 : i32
    %dma_wait3A_57 = arith.constant 0 : i32
    %dma_wait3A_58 = tpu.memref_slice %arg2[%dma_wait3A_56, %dma_wait3A_57] : memref<100000x256xf32, #tpu.memory_space<hbm>> -> memref<100000x256xf32, #tpu.memory_space<hbm>>
    tpu.wait_indirect_dma semaphore(%arg8 : memref<!tpu.dma_semaphore, #tpu.memory_space<semaphore_mem>>) src(%dma_wait3A_58 : memref<100000x256xf32, #tpu.memory_space<hbm>>) dst(%arg6 : memref<128x256xf32, #tpu.memory_space<vmem>>)
    %add3A_59 = arith.constant 256 : i32
    %add3A_60 = arith.addi %mul3A_2, %add3A_59 : i32
    %dma_start3A_61 = arith.constant 0 : i32
    %dma_start3A_62 = tpu.memref_slice %arg4[%add3A_60, %dma_start3A_61] : memref<20480x256xf32, #tpu.memory_space<hbm>> -> memref<128x256xf32, #tpu.memory_space<hbm>>
    %dma_start3A_63 = arith.constant 0 : i32
    %dma_start3A_64 = tpu.memref_slice %arg4[%add3A_60, %dma_start3A_63] : memref<20480x256xf32, #tpu.memory_space<hbm>> -> memref<128x256xf32, #tpu.memory_space<hbm>>
    tpu.enqueue_dma source(%arg6 : memref<128x256xf32, #tpu.memory_space<vmem>>) target(%dma_start3A_64 : memref<128x256xf32, #tpu.memory_space<hbm>>) target_semaphore(%arg10 : memref<!tpu.dma_semaphore, #tpu.memory_space<semaphore_mem>>)
    %dma_wait3A_65 = arith.constant 0 : i32
    %dma_wait3A_66 = tpu.memref_slice %arg4[%add3A_36, %dma_wait3A_65] : memref<20480x256xf32, #tpu.memory_space<hbm>> -> memref<128x256xf32, #tpu.memory_space<hbm>>
    %dma_wait3A_67 = arith.constant 0 : i32
    %dma_wait3A_68 = tpu.memref_slice %arg4[%add3A_36, %dma_wait3A_67] : memref<20480x256xf32, #tpu.memory_space<hbm>> -> memref<128x256xf32, #tpu.memory_space<hbm>>
    tpu.wait_dma2 semaphore(%arg11 : memref<!tpu.dma_semaphore, #tpu.memory_space<semaphore_mem>>) src(%arg7 : memref<128x256xf32, #tpu.memory_space<vmem>>) dst(%dma_wait3A_68 : memref<128x256xf32, #tpu.memory_space<hbm>>)
    %dma_start3A_69 = arith.constant 3 : i32
    %dma_start3A_70 = arith.constant 0 : i32
    %dma_start3A_71 = tpu.memref_slice %arg5[%dma_start3A_69, %dma_start3A_70] : memref<5x128xi32, #tpu.memory_space<vmem>> -> memref<1x128xi32, #tpu.memory_space<vmem>>
    %dma_start3A_72 = tpu.memref_squeeze %dma_start3A_71 : memref<1x128xi32, #tpu.memory_space<vmem>> -> memref<128xi32, #tpu.memory_space<vmem>>
    %dma_start3A_73 = arith.constant 0 : i32
    %dma_start3A_74 = arith.constant 0 : i32
    %dma_start3A_75 = tpu.memref_slice %arg2[%dma_start3A_73, %dma_start3A_74] : memref<100000x256xf32, #tpu.memory_space<hbm>> -> memref<100000x256xf32, #tpu.memory_space<hbm>>
    tpu.enqueue_indirect_dma source(%dma_start3A_75 : memref<100000x256xf32, #tpu.memory_space<hbm>>) target(%arg7 : memref<128x256xf32, #tpu.memory_space<vmem>>) offsets(%dma_start3A_72 : memref<128xi32, #tpu.memory_space<vmem>>) semaphore(%arg9 : memref<!tpu.dma_semaphore, #tpu.memory_space<semaphore_mem>>)
    %dma_wait3A_76 = arith.constant 3 : i32
    %dma_wait3A_77 = arith.constant 0 : i32
    %dma_wait3A_78 = tpu.memref_slice %arg5[%dma_wait3A_76, %dma_wait3A_77] : memref<5x128xi32, #tpu.memory_space<vmem>> -> memref<1x128xi32, #tpu.memory_space<vmem>>
    %dma_wait3A_79 = tpu.memref_squeeze %dma_wait3A_78 : memref<1x128xi32, #tpu.memory_space<vmem>> -> memref<128xi32, #tpu.memory_space<vmem>>
    %dma_wait3A_80 = arith.constant 0 : i32
    %dma_wait3A_81 = arith.constant 0 : i32
    %dma_wait3A_82 = tpu.memref_slice %arg2[%dma_wait3A_80, %dma_wait3A_81] : memref<100000x256xf32, #tpu.memory_space<hbm>> -> memref<100000x256xf32, #tpu.memory_space<hbm>>
    tpu.wait_indirect_dma semaphore(%arg9 : memref<!tpu.dma_semaphore, #tpu.memory_space<semaphore_mem>>) src(%dma_wait3A_82 : memref<100000x256xf32, #tpu.memory_space<hbm>>) dst(%arg7 : memref<128x256xf32, #tpu.memory_space<vmem>>)
    %add3A_83 = arith.constant 384 : i32
    %add3A_84 = arith.addi %mul3A_2, %add3A_83 : i32
    %dma_start3A_85 = arith.constant 0 : i32
    %dma_start3A_86 = tpu.memref_slice %arg4[%add3A_84, %dma_start3A_85] : memref<20480x256xf32, #tpu.memory_space<hbm>> -> memref<128x256xf32, #tpu.memory_space<hbm>>
    %dma_start3A_87 = arith.constant 0 : i32
    %dma_start3A_88 = tpu.memref_slice %arg4[%add3A_84, %dma_start3A_87] : memref<20480x256xf32, #tpu.memory_space<hbm>> -> memref<128x256xf32, #tpu.memory_space<hbm>>
    tpu.enqueue_dma source(%arg7 : memref<128x256xf32, #tpu.memory_space<vmem>>) target(%dma_start3A_88 : memref<128x256xf32, #tpu.memory_space<hbm>>) target_semaphore(%arg11 : memref<!tpu.dma_semaphore, #tpu.memory_space<semaphore_mem>>)
    %dma_wait3A_89 = arith.constant 0 : i32
    %dma_wait3A_90 = tpu.memref_slice %arg4[%add3A_60, %dma_wait3A_89] : memref<20480x256xf32, #tpu.memory_space<hbm>> -> memref<128x256xf32, #tpu.memory_space<hbm>>
    %dma_wait3A_91 = arith.constant 0 : i32
    %dma_wait3A_92 = tpu.memref_slice %arg4[%add3A_60, %dma_wait3A_91] : memref<20480x256xf32, #tpu.memory_space<hbm>> -> memref<128x256xf32, #tpu.memory_space<hbm>>
    tpu.wait_dma2 semaphore(%arg10 : memref<!tpu.dma_semaphore, #tpu.memory_space<semaphore_mem>>) src(%arg6 : memref<128x256xf32, #tpu.memory_space<vmem>>) dst(%dma_wait3A_92 : memref<128x256xf32, #tpu.memory_space<hbm>>)
    %dma_start3A_93 = arith.constant 4 : i32
    %dma_start3A_94 = arith.constant 0 : i32
    %dma_start3A_95 = tpu.memref_slice %arg5[%dma_start3A_93, %dma_start3A_94] : memref<5x128xi32, #tpu.memory_space<vmem>> -> memref<1x128xi32, #tpu.memory_space<vmem>>
    %dma_start3A_96 = tpu.memref_squeeze %dma_start3A_95 : memref<1x128xi32, #tpu.memory_space<vmem>> -> memref<128xi32, #tpu.memory_space<vmem>>
    %dma_start3A_97 = arith.constant 0 : i32
    %dma_start3A_98 = arith.constant 0 : i32
    %dma_start3A_99 = tpu.memref_slice %arg2[%dma_start3A_97, %dma_start3A_98] : memref<100000x256xf32, #tpu.memory_space<hbm>> -> memref<100000x256xf32, #tpu.memory_space<hbm>>
    tpu.enqueue_indirect_dma source(%dma_start3A_99 : memref<100000x256xf32, #tpu.memory_space<hbm>>) target(%arg6 : memref<128x256xf32, #tpu.memory_space<vmem>>) offsets(%dma_start3A_96 : memref<128xi32, #tpu.memory_space<vmem>>) semaphore(%arg8 : memref<!tpu.dma_semaphore, #tpu.memory_space<semaphore_mem>>)
    %dma_wait3A_100 = arith.constant 4 : i32
    %dma_wait3A_101 = arith.constant 0 : i32
    %dma_wait3A_102 = tpu.memref_slice %arg5[%dma_wait3A_100, %dma_wait3A_101] : memref<5x128xi32, #tpu.memory_space<vmem>> -> memref<1x128xi32, #tpu.memory_space<vmem>>
    %dma_wait3A_103 = tpu.memref_squeeze %dma_wait3A_102 : memref<1x128xi32, #tpu.memory_space<vmem>> -> memref<128xi32, #tpu.memory_space<vmem>>
    %dma_wait3A_104 = arith.constant 0 : i32
    %dma_wait3A_105 = arith.constant 0 : i32
    %dma_wait3A_106 = tpu.memref_slice %arg2[%dma_wait3A_104, %dma_wait3A_105] : memref<100000x256xf32, #tpu.memory_space<hbm>> -> memref<100000x256xf32, #tpu.memory_space<hbm>>
    tpu.wait_indirect_dma semaphore(%arg8 : memref<!tpu.dma_semaphore, #tpu.memory_space<semaphore_mem>>) src(%dma_wait3A_106 : memref<100000x256xf32, #tpu.memory_space<hbm>>) dst(%arg6 : memref<128x256xf32, #tpu.memory_space<vmem>>)
    %add3A_107 = arith.constant 512 : i32
    %add3A_108 = arith.addi %mul3A_2, %add3A_107 : i32
    %dma_start3A_109 = arith.constant 0 : i32
    %dma_start3A_110 = tpu.memref_slice %arg4[%add3A_108, %dma_start3A_109] : memref<20480x256xf32, #tpu.memory_space<hbm>> -> memref<128x256xf32, #tpu.memory_space<hbm>>
    %dma_start3A_111 = arith.constant 0 : i32
    %dma_start3A_112 = tpu.memref_slice %arg4[%add3A_108, %dma_start3A_111] : memref<20480x256xf32, #tpu.memory_space<hbm>> -> memref<128x256xf32, #tpu.memory_space<hbm>>
    tpu.enqueue_dma source(%arg6 : memref<128x256xf32, #tpu.memory_space<vmem>>) target(%dma_start3A_112 : memref<128x256xf32, #tpu.memory_space<hbm>>) target_semaphore(%arg10 : memref<!tpu.dma_semaphore, #tpu.memory_space<semaphore_mem>>)
    %dma_wait3A_113 = arith.constant 0 : i32
    %dma_wait3A_114 = tpu.memref_slice %arg4[%add3A_84, %dma_wait3A_113] : memref<20480x256xf32, #tpu.memory_space<hbm>> -> memref<128x256xf32, #tpu.memory_space<hbm>>
    %dma_wait3A_115 = arith.constant 0 : i32
    %dma_wait3A_116 = tpu.memref_slice %arg4[%add3A_84, %dma_wait3A_115] : memref<20480x256xf32, #tpu.memory_space<hbm>> -> memref<128x256xf32, #tpu.memory_space<hbm>>
    tpu.wait_dma2 semaphore(%arg11 : memref<!tpu.dma_semaphore, #tpu.memory_space<semaphore_mem>>) src(%arg7 : memref<128x256xf32, #tpu.memory_space<vmem>>) dst(%dma_wait3A_116 : memref<128x256xf32, #tpu.memory_space<hbm>>)
    %dma_wait3A_117 = arith.constant 0 : i32
    %dma_wait3A_118 = tpu.memref_slice %arg4[%add3A_108, %dma_wait3A_117] : memref<20480x256xf32, #tpu.memory_space<hbm>> -> memref<128x256xf32, #tpu.memory_space<hbm>>
    %dma_wait3A_119 = arith.constant 0 : i32
    %dma_wait3A_120 = tpu.memref_slice %arg4[%add3A_108, %dma_wait3A_119] : memref<20480x256xf32, #tpu.memory_space<hbm>> -> memref<128x256xf32, #tpu.memory_space<hbm>>
    tpu.wait_dma2 semaphore(%arg10 : memref<!tpu.dma_semaphore, #tpu.memory_space<semaphore_mem>>) src(%arg6 : memref<128x256xf32, #tpu.memory_space<vmem>>) dst(%dma_wait3A_120 : memref<128x256xf32, #tpu.memory_space<hbm>>)
    return
  }
}

#map = affine_map<(d0, d1) -> (0, 0)>
#map1 = affine_map<(d0, d1) -> (0, 0, 0)>
module attributes {stable_mosaic.version = 14 : i64} {
  func.func @gather_kernel(%arg0: i32, %arg1: i32, %arg2: memref<100000x256xf32, #tpu.memory_space<hbm>>, %arg3: memref<32x3x128xi32, #tpu.memory_space<hbm>>, %arg4: memref<12288x256xf32, #tpu.memory_space<hbm>>, %arg5: memref<3x128xi32, #tpu.memory_space<vmem>>, %arg6: memref<128x256xf32, #tpu.memory_space<vmem>>, %arg7: memref<128x256xf32, #tpu.memory_space<vmem>>, %arg8: memref<!tpu.dma_semaphore, #tpu.memory_space<semaphore_mem>>, %arg9: memref<!tpu.dma_semaphore, #tpu.memory_space<semaphore_mem>>, %arg10: memref<!tpu.dma_semaphore, #tpu.memory_space<semaphore_mem>>, %arg11: memref<!tpu.dma_semaphore, #tpu.memory_space<semaphore_mem>>) attributes {dimension_semantics = [#tpu.dimension_semantics<core_parallel>, #tpu.dimension_semantics<subcore_parallel>], iteration_bounds = array<i64: 2, 16>, scalar_prefetch = 0 : i64, scratch_operands = 7 : i64, tpu.core_type = #tpu.core_type<sc_vector_subcore>, window_params = [{transform_indices = #map}, {transform_indices = #map1}, {transform_indices = #map}]} {
    %mul3A = arith.constant 2 : i32
    %mul3A_0 = arith.muli %arg1, %mul3A : i32
    %add3A = arith.addi %mul3A_0, %arg0 : i32
    "tpu.region"() ({
      %run_scoped3A = tpu.sem_alloc : memref<!tpu.dma_semaphore, #tpu.memory_space<semaphore_mem>>
      %dma_start3A_73 = arith.constant 0 : i32
      %dma_start3A_74 = arith.constant 0 : i32
      %dma_start3A_75 = tpu.memref_slice %arg3[%add3A, %dma_start3A_73, %dma_start3A_74] : memref<32x3x128xi32, #tpu.memory_space<hbm>> -> memref<1x3x128xi32, #tpu.memory_space<hbm>>
      %dma_start3A_76 = tpu.memref_squeeze %dma_start3A_75 : memref<1x3x128xi32, #tpu.memory_space<hbm>> -> memref<3x128xi32, #tpu.memory_space<hbm>>
      %dma_start3A_77 = arith.constant 0 : i32
      %dma_start3A_78 = arith.constant 0 : i32
      %dma_start3A_79 = tpu.memref_slice %arg3[%add3A, %dma_start3A_77, %dma_start3A_78] : memref<32x3x128xi32, #tpu.memory_space<hbm>> -> memref<1x3x128xi32, #tpu.memory_space<hbm>>
      %dma_start3A_80 = tpu.memref_squeeze %dma_start3A_79 : memref<1x3x128xi32, #tpu.memory_space<hbm>> -> memref<3x128xi32, #tpu.memory_space<hbm>>
      tpu.enqueue_dma source(%dma_start3A_80 : memref<3x128xi32, #tpu.memory_space<hbm>>) target(%arg5 : memref<3x128xi32, #tpu.memory_space<vmem>>) target_semaphore(%run_scoped3A : memref<!tpu.dma_semaphore, #tpu.memory_space<semaphore_mem>>)
      %dma_wait3A_81 = arith.constant 0 : i32
      %dma_wait3A_82 = arith.constant 0 : i32
      %dma_wait3A_83 = tpu.memref_slice %arg3[%add3A, %dma_wait3A_81, %dma_wait3A_82] : memref<32x3x128xi32, #tpu.memory_space<hbm>> -> memref<1x3x128xi32, #tpu.memory_space<hbm>>
      %dma_wait3A_84 = tpu.memref_squeeze %dma_wait3A_83 : memref<1x3x128xi32, #tpu.memory_space<hbm>> -> memref<3x128xi32, #tpu.memory_space<hbm>>
      %dma_wait3A_85 = arith.constant 0 : i32
      %dma_wait3A_86 = arith.constant 0 : i32
      %dma_wait3A_87 = tpu.memref_slice %arg3[%add3A, %dma_wait3A_85, %dma_wait3A_86] : memref<32x3x128xi32, #tpu.memory_space<hbm>> -> memref<1x3x128xi32, #tpu.memory_space<hbm>>
      %dma_wait3A_88 = tpu.memref_squeeze %dma_wait3A_87 : memref<1x3x128xi32, #tpu.memory_space<hbm>> -> memref<3x128xi32, #tpu.memory_space<hbm>>
      tpu.wait_dma2 semaphore(%run_scoped3A : memref<!tpu.dma_semaphore, #tpu.memory_space<semaphore_mem>>) src(%dma_wait3A_88 : memref<3x128xi32, #tpu.memory_space<hbm>>) dst(%arg5 : memref<3x128xi32, #tpu.memory_space<vmem>>)
      tpu.yield
    }) : () -> ()
    %mul3A_1 = arith.constant 384 : i32
    %mul3A_2 = arith.muli %add3A, %mul3A_1 : i32
    %dma_start3A = arith.constant 0 : i32
    %dma_start3A_3 = arith.constant 0 : i32
    %dma_start3A_4 = tpu.memref_slice %arg5[%dma_start3A, %dma_start3A_3] : memref<3x128xi32, #tpu.memory_space<vmem>> -> memref<1x128xi32, #tpu.memory_space<vmem>>
    %dma_start3A_5 = tpu.memref_squeeze %dma_start3A_4 : memref<1x128xi32, #tpu.memory_space<vmem>> -> memref<128xi32, #tpu.memory_space<vmem>>
    %dma_start3A_6 = arith.constant 0 : i32
    %dma_start3A_7 = arith.constant 0 : i32
    %dma_start3A_8 = tpu.memref_slice %arg2[%dma_start3A_6, %dma_start3A_7] : memref<100000x256xf32, #tpu.memory_space<hbm>> -> memref<100000x256xf32, #tpu.memory_space<hbm>>
    tpu.enqueue_indirect_dma source(%dma_start3A_8 : memref<100000x256xf32, #tpu.memory_space<hbm>>) target(%arg6 : memref<128x256xf32, #tpu.memory_space<vmem>>) offsets(%dma_start3A_5 : memref<128xi32, #tpu.memory_space<vmem>>) semaphore(%arg8 : memref<!tpu.dma_semaphore, #tpu.memory_space<semaphore_mem>>)
    %dma_wait3A = arith.constant 0 : i32
    %dma_wait3A_9 = arith.constant 0 : i32
    %dma_wait3A_10 = tpu.memref_slice %arg5[%dma_wait3A, %dma_wait3A_9] : memref<3x128xi32, #tpu.memory_space<vmem>> -> memref<1x128xi32, #tpu.memory_space<vmem>>
    %dma_wait3A_11 = tpu.memref_squeeze %dma_wait3A_10 : memref<1x128xi32, #tpu.memory_space<vmem>> -> memref<128xi32, #tpu.memory_space<vmem>>
    %dma_wait3A_12 = arith.constant 0 : i32
    %dma_wait3A_13 = arith.constant 0 : i32
    %dma_wait3A_14 = tpu.memref_slice %arg2[%dma_wait3A_12, %dma_wait3A_13] : memref<100000x256xf32, #tpu.memory_space<hbm>> -> memref<100000x256xf32, #tpu.memory_space<hbm>>
    tpu.wait_indirect_dma semaphore(%arg8 : memref<!tpu.dma_semaphore, #tpu.memory_space<semaphore_mem>>) src(%dma_wait3A_14 : memref<100000x256xf32, #tpu.memory_space<hbm>>) dst(%arg6 : memref<128x256xf32, #tpu.memory_space<vmem>>)
    %add3A_15 = arith.constant 0 : i32
    %add3A_16 = arith.addi %mul3A_2, %add3A_15 : i32
    %dma_start3A_17 = arith.constant 0 : i32
    %dma_start3A_18 = tpu.memref_slice %arg4[%add3A_16, %dma_start3A_17] : memref<12288x256xf32, #tpu.memory_space<hbm>> -> memref<128x256xf32, #tpu.memory_space<hbm>>
    %dma_start3A_19 = arith.constant 0 : i32
    %dma_start3A_20 = tpu.memref_slice %arg4[%add3A_16, %dma_start3A_19] : memref<12288x256xf32, #tpu.memory_space<hbm>> -> memref<128x256xf32, #tpu.memory_space<hbm>>
    tpu.enqueue_dma source(%arg6 : memref<128x256xf32, #tpu.memory_space<vmem>>) target(%dma_start3A_20 : memref<128x256xf32, #tpu.memory_space<hbm>>) target_semaphore(%arg10 : memref<!tpu.dma_semaphore, #tpu.memory_space<semaphore_mem>>)
    %dma_start3A_21 = arith.constant 1 : i32
    %dma_start3A_22 = arith.constant 0 : i32
    %dma_start3A_23 = tpu.memref_slice %arg5[%dma_start3A_21, %dma_start3A_22] : memref<3x128xi32, #tpu.memory_space<vmem>> -> memref<1x128xi32, #tpu.memory_space<vmem>>
    %dma_start3A_24 = tpu.memref_squeeze %dma_start3A_23 : memref<1x128xi32, #tpu.memory_space<vmem>> -> memref<128xi32, #tpu.memory_space<vmem>>
    %dma_start3A_25 = arith.constant 0 : i32
    %dma_start3A_26 = arith.constant 0 : i32
    %dma_start3A_27 = tpu.memref_slice %arg2[%dma_start3A_25, %dma_start3A_26] : memref<100000x256xf32, #tpu.memory_space<hbm>> -> memref<100000x256xf32, #tpu.memory_space<hbm>>
    tpu.enqueue_indirect_dma source(%dma_start3A_27 : memref<100000x256xf32, #tpu.memory_space<hbm>>) target(%arg7 : memref<128x256xf32, #tpu.memory_space<vmem>>) offsets(%dma_start3A_24 : memref<128xi32, #tpu.memory_space<vmem>>) semaphore(%arg9 : memref<!tpu.dma_semaphore, #tpu.memory_space<semaphore_mem>>)
    %dma_wait3A_28 = arith.constant 1 : i32
    %dma_wait3A_29 = arith.constant 0 : i32
    %dma_wait3A_30 = tpu.memref_slice %arg5[%dma_wait3A_28, %dma_wait3A_29] : memref<3x128xi32, #tpu.memory_space<vmem>> -> memref<1x128xi32, #tpu.memory_space<vmem>>
    %dma_wait3A_31 = tpu.memref_squeeze %dma_wait3A_30 : memref<1x128xi32, #tpu.memory_space<vmem>> -> memref<128xi32, #tpu.memory_space<vmem>>
    %dma_wait3A_32 = arith.constant 0 : i32
    %dma_wait3A_33 = arith.constant 0 : i32
    %dma_wait3A_34 = tpu.memref_slice %arg2[%dma_wait3A_32, %dma_wait3A_33] : memref<100000x256xf32, #tpu.memory_space<hbm>> -> memref<100000x256xf32, #tpu.memory_space<hbm>>
    tpu.wait_indirect_dma semaphore(%arg9 : memref<!tpu.dma_semaphore, #tpu.memory_space<semaphore_mem>>) src(%dma_wait3A_34 : memref<100000x256xf32, #tpu.memory_space<hbm>>) dst(%arg7 : memref<128x256xf32, #tpu.memory_space<vmem>>)
    %add3A_35 = arith.constant 128 : i32
    %add3A_36 = arith.addi %mul3A_2, %add3A_35 : i32
    %dma_start3A_37 = arith.constant 0 : i32
    %dma_start3A_38 = tpu.memref_slice %arg4[%add3A_36, %dma_start3A_37] : memref<12288x256xf32, #tpu.memory_space<hbm>> -> memref<128x256xf32, #tpu.memory_space<hbm>>
    %dma_start3A_39 = arith.constant 0 : i32
    %dma_start3A_40 = tpu.memref_slice %arg4[%add3A_36, %dma_start3A_39] : memref<12288x256xf32, #tpu.memory_space<hbm>> -> memref<128x256xf32, #tpu.memory_space<hbm>>
    tpu.enqueue_dma source(%arg7 : memref<128x256xf32, #tpu.memory_space<vmem>>) target(%dma_start3A_40 : memref<128x256xf32, #tpu.memory_space<hbm>>) target_semaphore(%arg11 : memref<!tpu.dma_semaphore, #tpu.memory_space<semaphore_mem>>)
    %dma_wait3A_41 = arith.constant 0 : i32
    %dma_wait3A_42 = tpu.memref_slice %arg4[%add3A_16, %dma_wait3A_41] : memref<12288x256xf32, #tpu.memory_space<hbm>> -> memref<128x256xf32, #tpu.memory_space<hbm>>
    %dma_wait3A_43 = arith.constant 0 : i32
    %dma_wait3A_44 = tpu.memref_slice %arg4[%add3A_16, %dma_wait3A_43] : memref<12288x256xf32, #tpu.memory_space<hbm>> -> memref<128x256xf32, #tpu.memory_space<hbm>>
    tpu.wait_dma2 semaphore(%arg10 : memref<!tpu.dma_semaphore, #tpu.memory_space<semaphore_mem>>) src(%arg6 : memref<128x256xf32, #tpu.memory_space<vmem>>) dst(%dma_wait3A_44 : memref<128x256xf32, #tpu.memory_space<hbm>>)
    %dma_start3A_45 = arith.constant 2 : i32
    %dma_start3A_46 = arith.constant 0 : i32
    %dma_start3A_47 = tpu.memref_slice %arg5[%dma_start3A_45, %dma_start3A_46] : memref<3x128xi32, #tpu.memory_space<vmem>> -> memref<1x128xi32, #tpu.memory_space<vmem>>
    %dma_start3A_48 = tpu.memref_squeeze %dma_start3A_47 : memref<1x128xi32, #tpu.memory_space<vmem>> -> memref<128xi32, #tpu.memory_space<vmem>>
    %dma_start3A_49 = arith.constant 0 : i32
    %dma_start3A_50 = arith.constant 0 : i32
    %dma_start3A_51 = tpu.memref_slice %arg2[%dma_start3A_49, %dma_start3A_50] : memref<100000x256xf32, #tpu.memory_space<hbm>> -> memref<100000x256xf32, #tpu.memory_space<hbm>>
    tpu.enqueue_indirect_dma source(%dma_start3A_51 : memref<100000x256xf32, #tpu.memory_space<hbm>>) target(%arg6 : memref<128x256xf32, #tpu.memory_space<vmem>>) offsets(%dma_start3A_48 : memref<128xi32, #tpu.memory_space<vmem>>) semaphore(%arg8 : memref<!tpu.dma_semaphore, #tpu.memory_space<semaphore_mem>>)
    %dma_wait3A_52 = arith.constant 2 : i32
    %dma_wait3A_53 = arith.constant 0 : i32
    %dma_wait3A_54 = tpu.memref_slice %arg5[%dma_wait3A_52, %dma_wait3A_53] : memref<3x128xi32, #tpu.memory_space<vmem>> -> memref<1x128xi32, #tpu.memory_space<vmem>>
    %dma_wait3A_55 = tpu.memref_squeeze %dma_wait3A_54 : memref<1x128xi32, #tpu.memory_space<vmem>> -> memref<128xi32, #tpu.memory_space<vmem>>
    %dma_wait3A_56 = arith.constant 0 : i32
    %dma_wait3A_57 = arith.constant 0 : i32
    %dma_wait3A_58 = tpu.memref_slice %arg2[%dma_wait3A_56, %dma_wait3A_57] : memref<100000x256xf32, #tpu.memory_space<hbm>> -> memref<100000x256xf32, #tpu.memory_space<hbm>>
    tpu.wait_indirect_dma semaphore(%arg8 : memref<!tpu.dma_semaphore, #tpu.memory_space<semaphore_mem>>) src(%dma_wait3A_58 : memref<100000x256xf32, #tpu.memory_space<hbm>>) dst(%arg6 : memref<128x256xf32, #tpu.memory_space<vmem>>)
    %add3A_59 = arith.constant 256 : i32
    %add3A_60 = arith.addi %mul3A_2, %add3A_59 : i32
    %dma_start3A_61 = arith.constant 0 : i32
    %dma_start3A_62 = tpu.memref_slice %arg4[%add3A_60, %dma_start3A_61] : memref<12288x256xf32, #tpu.memory_space<hbm>> -> memref<128x256xf32, #tpu.memory_space<hbm>>
    %dma_start3A_63 = arith.constant 0 : i32
    %dma_start3A_64 = tpu.memref_slice %arg4[%add3A_60, %dma_start3A_63] : memref<12288x256xf32, #tpu.memory_space<hbm>> -> memref<128x256xf32, #tpu.memory_space<hbm>>
    tpu.enqueue_dma source(%arg6 : memref<128x256xf32, #tpu.memory_space<vmem>>) target(%dma_start3A_64 : memref<128x256xf32, #tpu.memory_space<hbm>>) target_semaphore(%arg10 : memref<!tpu.dma_semaphore, #tpu.memory_space<semaphore_mem>>)
    %dma_wait3A_65 = arith.constant 0 : i32
    %dma_wait3A_66 = tpu.memref_slice %arg4[%add3A_36, %dma_wait3A_65] : memref<12288x256xf32, #tpu.memory_space<hbm>> -> memref<128x256xf32, #tpu.memory_space<hbm>>
    %dma_wait3A_67 = arith.constant 0 : i32
    %dma_wait3A_68 = tpu.memref_slice %arg4[%add3A_36, %dma_wait3A_67] : memref<12288x256xf32, #tpu.memory_space<hbm>> -> memref<128x256xf32, #tpu.memory_space<hbm>>
    tpu.wait_dma2 semaphore(%arg11 : memref<!tpu.dma_semaphore, #tpu.memory_space<semaphore_mem>>) src(%arg7 : memref<128x256xf32, #tpu.memory_space<vmem>>) dst(%dma_wait3A_68 : memref<128x256xf32, #tpu.memory_space<hbm>>)
    %dma_wait3A_69 = arith.constant 0 : i32
    %dma_wait3A_70 = tpu.memref_slice %arg4[%add3A_60, %dma_wait3A_69] : memref<12288x256xf32, #tpu.memory_space<hbm>> -> memref<128x256xf32, #tpu.memory_space<hbm>>
    %dma_wait3A_71 = arith.constant 0 : i32
    %dma_wait3A_72 = tpu.memref_slice %arg4[%add3A_60, %dma_wait3A_71] : memref<12288x256xf32, #tpu.memory_space<hbm>> -> memref<128x256xf32, #tpu.memory_space<hbm>>
    tpu.wait_dma2 semaphore(%arg10 : memref<!tpu.dma_semaphore, #tpu.memory_space<semaphore_mem>>) src(%arg6 : memref<128x256xf32, #tpu.memory_space<vmem>>) dst(%dma_wait3A_72 : memref<128x256xf32, #tpu.memory_space<hbm>>)
    return
  }
}

module attributes {stable_mosaic.version = 14 : i64} {
  func.func @body(%arg0: i32, %arg1: memref<2048x256xf32, #tpu.memory_space<vmem>>, %arg2: memref<2048x256xf32, #tpu.memory_space<vmem>>, %arg3: memref<2048x1xf32, #tpu.memory_space<vmem>>, %arg4: memref<256x128xf32, #tpu.memory_space<vmem>>, %arg5: memref<256x128xf32, #tpu.memory_space<vmem>>, %arg6: memref<1x128xf32, #tpu.memory_space<vmem>>, %arg7: memref<1x128xf32, #tpu.memory_space<vmem>>, %arg8: memref<128x256xf32, #tpu.memory_space<vmem>>, %arg9: memref<1x256xf32, #tpu.memory_space<vmem>>, %arg10: memref<256x768xf32, #tpu.memory_space<vmem>>, %arg11: memref<1x768xf32, #tpu.memory_space<vmem>>, %arg12: memref<256x768xf32, #tpu.memory_space<vmem>>, %arg13: memref<1x768xf32, #tpu.memory_space<vmem>>, %arg14: memref<256x128xf32, #tpu.memory_space<vmem>>, %arg15: memref<256x128xf32, #tpu.memory_space<vmem>>, %arg16: memref<1x128xf32, #tpu.memory_space<vmem>>, %arg17: memref<1x128xf32, #tpu.memory_space<vmem>>, %arg18: memref<1x1xf32, #tpu.memory_space<vmem>>, %arg19: memref<1x1x2048xf32, #tpu.memory_space<vmem>>, %arg20: memref<2048x256xf32, #tpu.memory_space<vmem>>, %arg21: memref<2048x256xf32, #tpu.memory_space<vmem>>) attributes {dimension_semantics = [#tpu.dimension_semantics<arbitrary>], iteration_bounds = array<i64: 3>, scalar_prefetch = 0 : i64, scratch_operands = 0 : i64, tpu.core_type = #tpu.core_type<tc>, window_params = [{transform_indices = @transform_0, window_bounds = array<i64: 2048, 256>}, {transform_indices = @transform_1, window_bounds = array<i64: 2048, 256>}, {transform_indices = @transform_2, window_bounds = array<i64: 2048, 1>}, {pipeline_mode = #tpu.pipeline_mode<synchronous>, transform_indices = @transform_3, window_bounds = array<i64: 256, 128>}, {pipeline_mode = #tpu.pipeline_mode<synchronous>, transform_indices = @transform_4, window_bounds = array<i64: 256, 128>}, {pipeline_mode = #tpu.pipeline_mode<synchronous>, transform_indices = @transform_5, window_bounds = array<i64: 1, 128>}, {pipeline_mode = #tpu.pipeline_mode<synchronous>, transform_indices = @transform_6, window_bounds = array<i64: 1, 128>}, {pipeline_mode = #tpu.pipeline_mode<synchronous>, transform_indices = @transform_7, window_bounds = array<i64: 128, 256>}, {pipeline_mode = #tpu.pipeline_mode<synchronous>, transform_indices = @transform_8, window_bounds = array<i64: 1, 256>}, {pipeline_mode = #tpu.pipeline_mode<synchronous>, transform_indices = @transform_9, window_bounds = array<i64: 256, 768>}, {pipeline_mode = #tpu.pipeline_mode<synchronous>, transform_indices = @transform_10, window_bounds = array<i64: 1, 768>}, {pipeline_mode = #tpu.pipeline_mode<synchronous>, transform_indices = @transform_11, window_bounds = array<i64: 256, 768>}, {pipeline_mode = #tpu.pipeline_mode<synchronous>, transform_indices = @transform_12, window_bounds = array<i64: 1, 768>}, {pipeline_mode = #tpu.pipeline_mode<synchronous>, transform_indices = @transform_13, window_bounds = array<i64: 256, 128>}, {pipeline_mode = #tpu.pipeline_mode<synchronous>, transform_indices = @transform_14, window_bounds = array<i64: 256, 128>}, {pipeline_mode = #tpu.pipeline_mode<synchronous>, transform_indices = @transform_15, window_bounds = array<i64: 1, 128>}, {pipeline_mode = #tpu.pipeline_mode<synchronous>, transform_indices = @transform_16, window_bounds = array<i64: 1, 128>}, {pipeline_mode = #tpu.pipeline_mode<synchronous>, transform_indices = @transform_17, window_bounds = array<i64: 1, 1>}, {transform_indices = @transform_18, window_bounds = array<i64: 1, 1, 2048>}, {transform_indices = @transform_19, window_bounds = array<i64: 2048, 256>}, {transform_indices = @transform_20, window_bounds = array<i64: 2048, 256>}]} {
    %get3A = arith.constant 0 : index
    %get3A_0 = arith.constant 0 : index
    %get3A_1 = vector.load %arg1[%get3A, %get3A_0] : memref<2048x256xf32, #tpu.memory_space<vmem>>, vector<2048x256xf32>
    %get3A_2 = arith.constant 0 : index
    %get3A_3 = arith.constant 0 : index
    %get3A_4 = vector.load %arg2[%get3A_2, %get3A_3] : memref<2048x256xf32, #tpu.memory_space<vmem>>, vector<2048x256xf32>
    %get3A_5 = arith.constant 0 : index
    %get3A_6 = arith.constant 0 : index
    %get3A_7 = vector.load %arg3[%get3A_5, %get3A_6] : memref<2048x1xf32, #tpu.memory_space<vmem>>, vector<2048x1xf32>
    %get3A_8 = arith.constant 0 : index
    %get3A_9 = arith.constant 0 : index
    %get3A_10 = vector.load %arg4[%get3A_8, %get3A_9] : memref<256x128xf32, #tpu.memory_space<vmem>>, vector<256x128xf32>
    %convert_element_type3A = arith.truncf %get3A_1 : vector<2048x256xf32> to vector<2048x256xbf16>
    %convert_element_type3A_11 = arith.truncf %get3A_10 : vector<256x128xf32> to vector<256x128xbf16>
    %dot_general3A = arith.constant dense<0.000000e+00> : vector<2048x128xf32>
    %dot_general3A_12 = tpu.matmul %convert_element_type3A, %convert_element_type3A_11, %dot_general3A {dimension_numbers = #tpu.dot_dimension_numbers<[1], [0], [0], [1], [0, 0, 1, 1], [], []>, transpose_lhs_hint = false} : vector<2048x256xbf16>, vector<256x128xbf16>, vector<2048x128xf32> -> vector<2048x128xf32>
    %get3A_13 = arith.constant 0 : index
    %get3A_14 = arith.constant 0 : index
    %get3A_15 = vector.load %arg5[%get3A_13, %get3A_14] : memref<256x128xf32, #tpu.memory_space<vmem>>, vector<256x128xf32>
    %convert_element_type3A_16 = arith.truncf %get3A_4 : vector<2048x256xf32> to vector<2048x256xbf16>
    %convert_element_type3A_17 = arith.truncf %get3A_15 : vector<256x128xf32> to vector<256x128xbf16>
    %dot_general3A_18 = arith.constant dense<0.000000e+00> : vector<2048x128xf32>
    %dot_general3A_19 = tpu.matmul %convert_element_type3A_16, %convert_element_type3A_17, %dot_general3A_18 {dimension_numbers = #tpu.dot_dimension_numbers<[1], [0], [0], [1], [0, 0, 1, 1], [], []>, transpose_lhs_hint = false} : vector<2048x256xbf16>, vector<256x128xbf16>, vector<2048x128xf32> -> vector<2048x128xf32>
    %add3A = arith.addf %dot_general3A_12, %dot_general3A_19 : vector<2048x128xf32>
    %get3A_20 = arith.constant 0 : index
    %get3A_21 = arith.constant 0 : index
    %get3A_22 = vector.load %arg6[%get3A_20, %get3A_21] : memref<1x128xf32, #tpu.memory_space<vmem>>, vector<1x128xf32>
    %mul3A = vector.broadcast %get3A_7 : vector<2048x1xf32> to vector<2048x128xf32>
    %mul3A_23 = vector.broadcast %get3A_22 : vector<1x128xf32> to vector<2048x128xf32>
    %mul3A_24 = arith.mulf %mul3A, %mul3A_23 : vector<2048x128xf32>
    %add3A_25 = arith.addf %add3A, %mul3A_24 : vector<2048x128xf32>
    %get3A_26 = arith.constant 0 : index
    %get3A_27 = arith.constant 0 : index
    %get3A_28 = vector.load %arg7[%get3A_26, %get3A_27] : memref<1x128xf32, #tpu.memory_space<vmem>>, vector<1x128xf32>
    %add3A_29 = vector.broadcast %get3A_28 : vector<1x128xf32> to vector<2048x128xf32>
    %add3A_30 = arith.addf %add3A_25, %add3A_29 : vector<2048x128xf32>
    %max3A = arith.constant 0.000000e+00 : f32
    %max3A_31 = vector.broadcast %max3A : f32 to vector<2048x128xf32>
    %max3A_32 = arith.maximumf %add3A_30, %max3A_31 : vector<2048x128xf32>
    %get3A_33 = arith.constant 0 : index
    %get3A_34 = arith.constant 0 : index
    %get3A_35 = vector.load %arg8[%get3A_33, %get3A_34] : memref<128x256xf32, #tpu.memory_space<vmem>>, vector<128x256xf32>
    %convert_element_type3A_36 = arith.truncf %max3A_32 : vector<2048x128xf32> to vector<2048x128xbf16>
    %convert_element_type3A_37 = arith.truncf %get3A_35 : vector<128x256xf32> to vector<128x256xbf16>
    %dot_general3A_38 = arith.constant dense<0.000000e+00> : vector<2048x256xf32>
    %dot_general3A_39 = tpu.matmul %convert_element_type3A_36, %convert_element_type3A_37, %dot_general3A_38 {dimension_numbers = #tpu.dot_dimension_numbers<[1], [0], [0], [1], [0, 0, 1, 1], [], []>, transpose_lhs_hint = false} : vector<2048x128xbf16>, vector<128x256xbf16>, vector<2048x256xf32> -> vector<2048x256xf32>
    %get3A_40 = arith.constant 0 : index
    %get3A_41 = arith.constant 0 : index
    %get3A_42 = vector.load %arg9[%get3A_40, %get3A_41] : memref<1x256xf32, #tpu.memory_space<vmem>>, vector<1x256xf32>
    %add3A_43 = vector.broadcast %get3A_42 : vector<1x256xf32> to vector<2048x256xf32>
    %add3A_44 = arith.addf %dot_general3A_39, %add3A_43 : vector<2048x256xf32>
    %get3A_45 = arith.constant 0 : index
    %get3A_46 = arith.constant 0 : index
    %get3A_47 = vector.load %arg10[%get3A_45, %get3A_46] : memref<256x768xf32, #tpu.memory_space<vmem>>, vector<256x768xf32>
    %convert_element_type3A_48 = arith.truncf %add3A_44 : vector<2048x256xf32> to vector<2048x256xbf16>
    %convert_element_type3A_49 = arith.truncf %get3A_47 : vector<256x768xf32> to vector<256x768xbf16>
    %dot_general3A_50 = arith.constant dense<0.000000e+00> : vector<2048x768xf32>
    %dot_general3A_51 = tpu.matmul %convert_element_type3A_48, %convert_element_type3A_49, %dot_general3A_50 {dimension_numbers = #tpu.dot_dimension_numbers<[1], [0], [0], [1], [0, 0, 1, 1], [], []>, transpose_lhs_hint = false} : vector<2048x256xbf16>, vector<256x768xbf16>, vector<2048x768xf32> -> vector<2048x768xf32>
    %get3A_52 = arith.constant 0 : index
    %get3A_53 = arith.constant 0 : index
    %get3A_54 = vector.load %arg11[%get3A_52, %get3A_53] : memref<1x768xf32, #tpu.memory_space<vmem>>, vector<1x768xf32>
    %add3A_55 = vector.broadcast %get3A_54 : vector<1x768xf32> to vector<2048x768xf32>
    %add3A_56 = arith.addf %dot_general3A_51, %add3A_55 : vector<2048x768xf32>
    %convert_element_type3A_57 = arith.truncf %add3A_56 : vector<2048x768xf32> to vector<2048x768xbf16>
    %get3A_58 = arith.constant 0 : index
    %get3A_59 = arith.constant 0 : index
    %get3A_60 = vector.load %arg12[%get3A_58, %get3A_59] : memref<256x768xf32, #tpu.memory_space<vmem>>, vector<256x768xf32>
    %convert_element_type3A_61 = arith.truncf %get3A_1 : vector<2048x256xf32> to vector<2048x256xbf16>
    %convert_element_type3A_62 = arith.truncf %get3A_60 : vector<256x768xf32> to vector<256x768xbf16>
    %dot_general3A_63 = arith.constant dense<0.000000e+00> : vector<2048x768xf32>
    %dot_general3A_64 = tpu.matmul %convert_element_type3A_61, %convert_element_type3A_62, %dot_general3A_63 {dimension_numbers = #tpu.dot_dimension_numbers<[1], [0], [0], [1], [0, 0, 1, 1], [], []>, transpose_lhs_hint = false} : vector<2048x256xbf16>, vector<256x768xbf16>, vector<2048x768xf32> -> vector<2048x768xf32>
    %get3A_65 = arith.constant 0 : index
    %get3A_66 = arith.constant 0 : index
    %get3A_67 = vector.load %arg13[%get3A_65, %get3A_66] : memref<1x768xf32, #tpu.memory_space<vmem>>, vector<1x768xf32>
    %add3A_68 = vector.broadcast %get3A_67 : vector<1x768xf32> to vector<2048x768xf32>
    %add3A_69 = arith.addf %dot_general3A_64, %add3A_68 : vector<2048x768xf32>
    %convert_element_type3A_70 = arith.truncf %add3A_69 : vector<2048x768xf32> to vector<2048x768xbf16>
    %get3A_71 = arith.constant 0 : index
    %get3A_72 = arith.constant 0 : index
    %get3A_73 = vector.load %arg12[%get3A_71, %get3A_72] : memref<256x768xf32, #tpu.memory_space<vmem>>, vector<256x768xf32>
    %convert_element_type3A_74 = arith.truncf %get3A_4 : vector<2048x256xf32> to vector<2048x256xbf16>
    %convert_element_type3A_75 = arith.truncf %get3A_73 : vector<256x768xf32> to vector<256x768xbf16>
    %dot_general3A_76 = arith.constant dense<0.000000e+00> : vector<2048x768xf32>
    %dot_general3A_77 = tpu.matmul %convert_element_type3A_74, %convert_element_type3A_75, %dot_general3A_76 {dimension_numbers = #tpu.dot_dimension_numbers<[1], [0], [0], [1], [0, 0, 1, 1], [], []>, transpose_lhs_hint = false} : vector<2048x256xbf16>, vector<256x768xbf16>, vector<2048x768xf32> -> vector<2048x768xf32>
    %get3A_78 = arith.constant 0 : index
    %get3A_79 = arith.constant 0 : index
    %get3A_80 = vector.load %arg13[%get3A_78, %get3A_79] : memref<1x768xf32, #tpu.memory_space<vmem>>, vector<1x768xf32>
    %add3A_81 = vector.broadcast %get3A_80 : vector<1x768xf32> to vector<2048x768xf32>
    %add3A_82 = arith.addf %dot_general3A_77, %add3A_81 : vector<2048x768xf32>
    %convert_element_type3A_83 = arith.truncf %add3A_82 : vector<2048x768xf32> to vector<2048x768xbf16>
    %slice3A = vector.extract_strided_slice %convert_element_type3A_57 {offsets = [0, 0], sizes = [2048, 256], strides = [1, 1]} : vector<2048x768xbf16> to vector<2048x256xbf16>
    %slice3A_84 = vector.extract_strided_slice %convert_element_type3A_57 {offsets = [0, 256], sizes = [2048, 256], strides = [1, 1]} : vector<2048x768xbf16> to vector<2048x256xbf16>
    %slice3A_85 = vector.extract_strided_slice %convert_element_type3A_57 {offsets = [0, 512], sizes = [2048, 256], strides = [1, 1]} : vector<2048x768xbf16> to vector<2048x256xbf16>
    %slice3A_86 = vector.extract_strided_slice %convert_element_type3A_70 {offsets = [0, 0], sizes = [2048, 256], strides = [1, 1]} : vector<2048x768xbf16> to vector<2048x256xbf16>
    %slice3A_87 = vector.extract_strided_slice %convert_element_type3A_70 {offsets = [0, 256], sizes = [2048, 256], strides = [1, 1]} : vector<2048x768xbf16> to vector<2048x256xbf16>
    %slice3A_88 = vector.extract_strided_slice %convert_element_type3A_70 {offsets = [0, 512], sizes = [2048, 256], strides = [1, 1]} : vector<2048x768xbf16> to vector<2048x256xbf16>
    %add3A_89 = arith.addf %slice3A, %slice3A_86 : vector<2048x256xbf16>
    %tanh3A = math.tanh %add3A_89 : vector<2048x256xbf16>
    %mul3A_90 = arith.constant 5.000000e-01 : bf16
    %mul3A_91 = vector.broadcast %mul3A_90 : bf16 to vector<2048x256xbf16>
    %mul3A_92 = arith.mulf %mul3A_91, %tanh3A : vector<2048x256xbf16>
    %add3A_93 = arith.constant 5.000000e-01 : bf16
    %add3A_94 = vector.broadcast %add3A_93 : bf16 to vector<2048x256xbf16>
    %add3A_95 = arith.addf %mul3A_92, %add3A_94 : vector<2048x256xbf16>
    %add3A_96 = arith.addf %slice3A_84, %slice3A_87 : vector<2048x256xbf16>
    %tanh3A_97 = math.tanh %add3A_96 : vector<2048x256xbf16>
    %mul3A_98 = arith.constant 5.000000e-01 : bf16
    %mul3A_99 = vector.broadcast %mul3A_98 : bf16 to vector<2048x256xbf16>
    %mul3A_100 = arith.mulf %mul3A_99, %tanh3A_97 : vector<2048x256xbf16>
    %add3A_101 = arith.constant 5.000000e-01 : bf16
    %add3A_102 = vector.broadcast %add3A_101 : bf16 to vector<2048x256xbf16>
    %add3A_103 = arith.addf %mul3A_100, %add3A_102 : vector<2048x256xbf16>
    %mul3A_104 = arith.mulf %add3A_95, %slice3A_88 : vector<2048x256xbf16>
    %add3A_105 = arith.addf %slice3A_85, %mul3A_104 : vector<2048x256xbf16>
    %tanh3A_106 = math.tanh %add3A_105 : vector<2048x256xbf16>
    %convert_element_type3A_107 = arith.truncf %get3A_1 : vector<2048x256xf32> to vector<2048x256xbf16>
    %sub3A = arith.subf %convert_element_type3A_107, %tanh3A_106 : vector<2048x256xbf16>
    %mul3A_108 = arith.mulf %add3A_103, %sub3A : vector<2048x256xbf16>
    %add3A_109 = arith.addf %tanh3A_106, %mul3A_108 : vector<2048x256xbf16>
    %convert_element_type3A_110 = arith.extf %add3A_109 : vector<2048x256xbf16> to vector<2048x256xf32>
    %slice3A_111 = vector.extract_strided_slice %convert_element_type3A_57 {offsets = [0, 0], sizes = [2048, 256], strides = [1, 1]} : vector<2048x768xbf16> to vector<2048x256xbf16>
    %slice3A_112 = vector.extract_strided_slice %convert_element_type3A_57 {offsets = [0, 256], sizes = [2048, 256], strides = [1, 1]} : vector<2048x768xbf16> to vector<2048x256xbf16>
    %slice3A_113 = vector.extract_strided_slice %convert_element_type3A_57 {offsets = [0, 512], sizes = [2048, 256], strides = [1, 1]} : vector<2048x768xbf16> to vector<2048x256xbf16>
    %slice3A_114 = vector.extract_strided_slice %convert_element_type3A_83 {offsets = [0, 0], sizes = [2048, 256], strides = [1, 1]} : vector<2048x768xbf16> to vector<2048x256xbf16>
    %slice3A_115 = vector.extract_strided_slice %convert_element_type3A_83 {offsets = [0, 256], sizes = [2048, 256], strides = [1, 1]} : vector<2048x768xbf16> to vector<2048x256xbf16>
    %slice3A_116 = vector.extract_strided_slice %convert_element_type3A_83 {offsets = [0, 512], sizes = [2048, 256], strides = [1, 1]} : vector<2048x768xbf16> to vector<2048x256xbf16>
    %add3A_117 = arith.addf %slice3A_111, %slice3A_114 : vector<2048x256xbf16>
    %tanh3A_118 = math.tanh %add3A_117 : vector<2048x256xbf16>
    %mul3A_119 = arith.constant 5.000000e-01 : bf16
    %mul3A_120 = vector.broadcast %mul3A_119 : bf16 to vector<2048x256xbf16>
    %mul3A_121 = arith.mulf %mul3A_120, %tanh3A_118 : vector<2048x256xbf16>
    %add3A_122 = arith.constant 5.000000e-01 : bf16
    %add3A_123 = vector.broadcast %add3A_122 : bf16 to vector<2048x256xbf16>
    %add3A_124 = arith.addf %mul3A_121, %add3A_123 : vector<2048x256xbf16>
    %add3A_125 = arith.addf %slice3A_112, %slice3A_115 : vector<2048x256xbf16>
    %tanh3A_126 = math.tanh %add3A_125 : vector<2048x256xbf16>
    %mul3A_127 = arith.constant 5.000000e-01 : bf16
    %mul3A_128 = vector.broadcast %mul3A_127 : bf16 to vector<2048x256xbf16>
    %mul3A_129 = arith.mulf %mul3A_128, %tanh3A_126 : vector<2048x256xbf16>
    %add3A_130 = arith.constant 5.000000e-01 : bf16
    %add3A_131 = vector.broadcast %add3A_130 : bf16 to vector<2048x256xbf16>
    %add3A_132 = arith.addf %mul3A_129, %add3A_131 : vector<2048x256xbf16>
    %mul3A_133 = arith.mulf %add3A_124, %slice3A_116 : vector<2048x256xbf16>
    %add3A_134 = arith.addf %slice3A_113, %mul3A_133 : vector<2048x256xbf16>
    %tanh3A_135 = math.tanh %add3A_134 : vector<2048x256xbf16>
    %convert_element_type3A_136 = arith.truncf %get3A_4 : vector<2048x256xf32> to vector<2048x256xbf16>
    %sub3A_137 = arith.subf %convert_element_type3A_136, %tanh3A_135 : vector<2048x256xbf16>
    %mul3A_138 = arith.mulf %add3A_132, %sub3A_137 : vector<2048x256xbf16>
    %add3A_139 = arith.addf %tanh3A_135, %mul3A_138 : vector<2048x256xbf16>
    %convert_element_type3A_140 = arith.extf %add3A_139 : vector<2048x256xbf16> to vector<2048x256xf32>
    %swap3A = arith.constant 0 : index
    %swap3A_141 = arith.constant 0 : index
    %swap3A_142 = vector.load %arg20[%swap3A, %swap3A_141] : memref<2048x256xf32, #tpu.memory_space<vmem>>, vector<2048x256xf32>
    tpu.vector_store %arg20[%swap3A, %swap3A_141], %convert_element_type3A_110 {strides = array<i32>} : memref<2048x256xf32, #tpu.memory_space<vmem>>, vector<2048x256xf32>,
    %swap3A_143 = arith.constant 0 : index
    %swap3A_144 = arith.constant 0 : index
    %swap3A_145 = vector.load %arg21[%swap3A_143, %swap3A_144] : memref<2048x256xf32, #tpu.memory_space<vmem>>, vector<2048x256xf32>
    tpu.vector_store %arg21[%swap3A_143, %swap3A_144], %convert_element_type3A_140 {strides = array<i32>} : memref<2048x256xf32, #tpu.memory_space<vmem>>, vector<2048x256xf32>,
    %get3A_146 = arith.constant 0 : index
    %get3A_147 = arith.constant 0 : index
    %get3A_148 = vector.load %arg14[%get3A_146, %get3A_147] : memref<256x128xf32, #tpu.memory_space<vmem>>, vector<256x128xf32>
    %convert_element_type3A_149 = arith.truncf %convert_element_type3A_110 : vector<2048x256xf32> to vector<2048x256xbf16>
    %convert_element_type3A_150 = arith.truncf %get3A_148 : vector<256x128xf32> to vector<256x128xbf16>
    %dot_general3A_151 = arith.constant dense<0.000000e+00> : vector<2048x128xf32>
    %dot_general3A_152 = tpu.matmul %convert_element_type3A_149, %convert_element_type3A_150, %dot_general3A_151 {dimension_numbers = #tpu.dot_dimension_numbers<[1], [0], [0], [1], [0, 0, 1, 1], [], []>, transpose_lhs_hint = false} : vector<2048x256xbf16>, vector<256x128xbf16>, vector<2048x128xf32> -> vector<2048x128xf32>
    %get3A_153 = arith.constant 0 : index
    %get3A_154 = arith.constant 0 : index
    %get3A_155 = vector.load %arg15[%get3A_153, %get3A_154] : memref<256x128xf32, #tpu.memory_space<vmem>>, vector<256x128xf32>
    %convert_element_type3A_156 = arith.truncf %convert_element_type3A_140 : vector<2048x256xf32> to vector<2048x256xbf16>
    %convert_element_type3A_157 = arith.truncf %get3A_155 : vector<256x128xf32> to vector<256x128xbf16>
    %dot_general3A_158 = arith.constant dense<0.000000e+00> : vector<2048x128xf32>
    %dot_general3A_159 = tpu.matmul %convert_element_type3A_156, %convert_element_type3A_157, %dot_general3A_158 {dimension_numbers = #tpu.dot_dimension_numbers<[1], [0], [0], [1], [0, 0, 1, 1], [], []>, transpose_lhs_hint = false} : vector<2048x256xbf16>, vector<256x128xbf16>, vector<2048x128xf32> -> vector<2048x128xf32>
    %add3A_160 = arith.addf %dot_general3A_152, %dot_general3A_159 : vector<2048x128xf32>
    %get3A_161 = arith.constant 0 : index
    %get3A_162 = arith.constant 0 : index
    %get3A_163 = vector.load %arg16[%get3A_161, %get3A_162] : memref<1x128xf32, #tpu.memory_space<vmem>>, vector<1x128xf32>
    %add3A_164 = vector.broadcast %get3A_163 : vector<1x128xf32> to vector<2048x128xf32>
    %add3A_165 = arith.addf %add3A_160, %add3A_164 : vector<2048x128xf32>
    %max3A_166 = arith.constant 0.000000e+00 : f32
    %max3A_167 = vector.broadcast %max3A_166 : f32 to vector<2048x128xf32>
    %max3A_168 = arith.maximumf %add3A_165, %max3A_167 : vector<2048x128xf32>
    %get3A_169 = arith.constant 0 : index
    %get3A_170 = arith.constant 0 : index
    %get3A_171 = vector.load %arg17[%get3A_169, %get3A_170] : memref<1x128xf32, #tpu.memory_space<vmem>>, vector<1x128xf32>
    %convert_element_type3A_172 = arith.truncf %get3A_171 : vector<1x128xf32> to vector<1x128xbf16>
    %convert_element_type3A_173 = arith.truncf %max3A_168 : vector<2048x128xf32> to vector<2048x128xbf16>
    %dot_general3A_174 = arith.constant dense<0.000000e+00> : vector<1x2048xf32>
    %dot_general3A_175 = tpu.matmul %convert_element_type3A_172, %convert_element_type3A_173, %dot_general3A_174 {dimension_numbers = #tpu.dot_dimension_numbers<[1], [1], [0], [0], [0, 0, 1, 0], [], []>, transpose_lhs_hint = false} : vector<1x128xbf16>, vector<2048x128xbf16>, vector<1x2048xf32> -> vector<1x2048xf32>
    %get3A_176 = arith.constant 0 : index
    %get3A_177 = arith.constant 0 : index
    %get3A_178 = vector.load %arg18[%get3A_176, %get3A_177] : memref<1x1xf32, #tpu.memory_space<vmem>>, vector<1x1xf32>
    %add3A_179 = vector.broadcast %get3A_178 : vector<1x1xf32> to vector<1x2048xf32>
    %add3A_180 = arith.addf %dot_general3A_175, %add3A_179 : vector<1x2048xf32>
    %reshape3A = vector.shape_cast %add3A_180 : vector<1x2048xf32> to vector<1x1x2048xf32>
    %swap3A_181 = arith.constant 0 : index
    %swap3A_182 = arith.constant 0 : index
    %swap3A_183 = arith.constant 0 : index
    %swap3A_184 = vector.load %arg19[%swap3A_181, %swap3A_182, %swap3A_183] : memref<1x1x2048xf32, #tpu.memory_space<vmem>>, vector<1x1x2048xf32>
    tpu.vector_store %arg19[%swap3A_181, %swap3A_182, %swap3A_183], %reshape3A {strides = array<i32>} : memref<1x1x2048xf32, #tpu.memory_space<vmem>>, vector<1x1x2048xf32>,
    return
  }
  func.func @transform_0(%arg0: i32) -> (i32, i32) {
    %c0_i32 = arith.constant 0 : i32
    %c0_i32_0 = arith.constant 0 : i32
    return %arg0, %c0_i32 : i32, i32
  }
  func.func @transform_1(%arg0: i32) -> (i32, i32) {
    %add3A = arith.constant 3 : i32
    %add3A_0 = arith.addi %arg0, %add3A : i32
    %c0_i32 = arith.constant 0 : i32
    %c0_i32_1 = arith.constant 0 : i32
    return %add3A_0, %c0_i32 : i32, i32
  }
  func.func @transform_2(%arg0: i32) -> (i32, i32) {
    %add3A = arith.constant 0 : i32
    %add3A_0 = arith.addi %arg0, %add3A : i32
    %c0_i32 = arith.constant 0 : i32
    %c0_i32_1 = arith.constant 0 : i32
    return %add3A_0, %c0_i32 : i32, i32
  }
  func.func @transform_3(%arg0: i32) -> (i32, i32) {
    %c0_i32 = arith.constant 0 : i32
    %c0_i32_0 = arith.constant 0 : i32
    %c0_i32_1 = arith.constant 0 : i32
    return %c0_i32, %c0_i32_0 : i32, i32
  }
  func.func @transform_4(%arg0: i32) -> (i32, i32) {
    %c0_i32 = arith.constant 0 : i32
    %c0_i32_0 = arith.constant 0 : i32
    %c0_i32_1 = arith.constant 0 : i32
    return %c0_i32, %c0_i32_0 : i32, i32
  }
  func.func @transform_5(%arg0: i32) -> (i32, i32) {
    %c0_i32 = arith.constant 0 : i32
    %c0_i32_0 = arith.constant 0 : i32
    %c0_i32_1 = arith.constant 0 : i32
    return %c0_i32, %c0_i32_0 : i32, i32
  }
  func.func @transform_6(%arg0: i32) -> (i32, i32) {
    %c0_i32 = arith.constant 0 : i32
    %c0_i32_0 = arith.constant 0 : i32
    %c0_i32_1 = arith.constant 0 : i32
    return %c0_i32, %c0_i32_0 : i32, i32
  }
  func.func @transform_7(%arg0: i32) -> (i32, i32) {
    %c0_i32 = arith.constant 0 : i32
    %c0_i32_0 = arith.constant 0 : i32
    %c0_i32_1 = arith.constant 0 : i32
    return %c0_i32, %c0_i32_0 : i32, i32
  }
  func.func @transform_8(%arg0: i32) -> (i32, i32) {
    %c0_i32 = arith.constant 0 : i32
    %c0_i32_0 = arith.constant 0 : i32
    %c0_i32_1 = arith.constant 0 : i32
    return %c0_i32, %c0_i32_0 : i32, i32
  }
  func.func @transform_9(%arg0: i32) -> (i32, i32) {
    %c0_i32 = arith.constant 0 : i32
    %c0_i32_0 = arith.constant 0 : i32
    %c0_i32_1 = arith.constant 0 : i32
    return %c0_i32, %c0_i32_0 : i32, i32
  }
  func.func @transform_10(%arg0: i32) -> (i32, i32) {
    %c0_i32 = arith.constant 0 : i32
    %c0_i32_0 = arith.constant 0 : i32
    %c0_i32_1 = arith.constant 0 : i32
    return %c0_i32, %c0_i32_0 : i32, i32
  }
  func.func @transform_11(%arg0: i32) -> (i32, i32) {
    %c0_i32 = arith.constant 0 : i32
    %c0_i32_0 = arith.constant 0 : i32
    %c0_i32_1 = arith.constant 0 : i32
    return %c0_i32, %c0_i32_0 : i32, i32
  }
  func.func @transform_12(%arg0: i32) -> (i32, i32) {
    %c0_i32 = arith.constant 0 : i32
    %c0_i32_0 = arith.constant 0 : i32
    %c0_i32_1 = arith.constant 0 : i32
    return %c0_i32, %c0_i32_0 : i32, i32
  }
  func.func @transform_13(%arg0: i32) -> (i32, i32) {
    %c0_i32 = arith.constant 0 : i32
    %c0_i32_0 = arith.constant 0 : i32
    %c0_i32_1 = arith.constant 0 : i32
    return %c0_i32, %c0_i32_0 : i32, i32
  }
  func.func @transform_14(%arg0: i32) -> (i32, i32) {
    %c0_i32 = arith.constant 0 : i32
    %c0_i32_0 = arith.constant 0 : i32
    %c0_i32_1 = arith.constant 0 : i32
    return %c0_i32, %c0_i32_0 : i32, i32
  }
  func.func @transform_15(%arg0: i32) -> (i32, i32) {
    %c0_i32 = arith.constant 0 : i32
    %c0_i32_0 = arith.constant 0 : i32
    %c0_i32_1 = arith.constant 0 : i32
    return %c0_i32, %c0_i32_0 : i32, i32
  }
  func.func @transform_16(%arg0: i32) -> (i32, i32) {
    %c0_i32 = arith.constant 0 : i32
    %c0_i32_0 = arith.constant 0 : i32
    %c0_i32_1 = arith.constant 0 : i32
    return %c0_i32, %c0_i32_0 : i32, i32
  }
  func.func @transform_17(%arg0: i32) -> (i32, i32) {
    %c0_i32 = arith.constant 0 : i32
    %c0_i32_0 = arith.constant 0 : i32
    %c0_i32_1 = arith.constant 0 : i32
    return %c0_i32, %c0_i32_0 : i32, i32
  }
  func.func @transform_18(%arg0: i32) -> (i32, i32, i32) {
    %add3A = arith.constant 0 : i32
    %add3A_0 = arith.addi %arg0, %add3A : i32
    %c0_i32 = arith.constant 0 : i32
    %c0_i32_1 = arith.constant 0 : i32
    %c0_i32_2 = arith.constant 0 : i32
    return %add3A_0, %c0_i32, %c0_i32_1 : i32, i32, i32
  }
  func.func @transform_19(%arg0: i32) -> (i32, i32) {
    %add3A = arith.constant 0 : i32
    %add3A_0 = arith.addi %arg0, %add3A : i32
    %c0_i32 = arith.constant 0 : i32
    %c0_i32_1 = arith.constant 0 : i32
    return %add3A_0, %c0_i32 : i32, i32
  }
  func.func @transform_20(%arg0: i32) -> (i32, i32) {
    %add3A = arith.constant 0 : i32
    %add3A_0 = arith.addi %arg0, %add3A : i32
    %c0_i32 = arith.constant 0 : i32
    %c0_i32_1 = arith.constant 0 : i32
    return %add3A_0, %c0_i32 : i32, i32
  }
}

module attributes {stable_mosaic.version = 14 : i64} {
  func.func @_tc_body(%arg0: i32, %arg1: memref<2048x256xf32, #tpu.memory_space<vmem>>, %arg2: memref<2048x256xf32, #tpu.memory_space<vmem>>, %arg3: memref<2048x1xf32, #tpu.memory_space<vmem>>, %arg4: memref<256x128xf32, #tpu.memory_space<vmem>>, %arg5: memref<256x128xf32, #tpu.memory_space<vmem>>, %arg6: memref<1x128xf32, #tpu.memory_space<vmem>>, %arg7: memref<1x128xf32, #tpu.memory_space<vmem>>, %arg8: memref<128x256xf32, #tpu.memory_space<vmem>>, %arg9: memref<1x256xf32, #tpu.memory_space<vmem>>, %arg10: memref<256x768xf32, #tpu.memory_space<vmem>>, %arg11: memref<1x768xf32, #tpu.memory_space<vmem>>, %arg12: memref<256x768xf32, #tpu.memory_space<vmem>>, %arg13: memref<1x768xf32, #tpu.memory_space<vmem>>, %arg14: memref<256x128xf32, #tpu.memory_space<vmem>>, %arg15: memref<256x128xf32, #tpu.memory_space<vmem>>, %arg16: memref<1x128xf32, #tpu.memory_space<vmem>>, %arg17: memref<1x128xf32, #tpu.memory_space<vmem>>, %arg18: memref<1x1xf32, #tpu.memory_space<vmem>>, %arg19: memref<8x1x2048xf32, #tpu.memory_space<any>>, %arg20: memref<16384x256xf32, #tpu.memory_space<any>>, %arg21: memref<16384x256xf32, #tpu.memory_space<any>>, %arg22: memref<1x1x2048xf32, #tpu.memory_space<vmem>>, %arg23: memref<2048x256xf32, #tpu.memory_space<vmem>>, %arg24: memref<2048x256xf32, #tpu.memory_space<vmem>>) attributes {dimension_semantics = [#tpu.dimension_semantics<arbitrary>], iteration_bounds = array<i64: 5>, scalar_prefetch = 0 : i64, scratch_operands = 0 : i64, tpu.core_type = #tpu.core_type<tc>, window_params = [{transform_indices = @transform_0, window_bounds = array<i64: 2048, 256>}, {transform_indices = @transform_1, window_bounds = array<i64: 2048, 256>}, {transform_indices = @transform_2, window_bounds = array<i64: 2048, 1>}, {pipeline_mode = #tpu.pipeline_mode<synchronous>, transform_indices = @transform_3, window_bounds = array<i64: 256, 128>}, {pipeline_mode = #tpu.pipeline_mode<synchronous>, transform_indices = @transform_4, window_bounds = array<i64: 256, 128>}, {pipeline_mode = #tpu.pipeline_mode<synchronous>, transform_indices = @transform_5, window_bounds = array<i64: 1, 128>}, {pipeline_mode = #tpu.pipeline_mode<synchronous>, transform_indices = @transform_6, window_bounds = array<i64: 1, 128>}, {pipeline_mode = #tpu.pipeline_mode<synchronous>, transform_indices = @transform_7, window_bounds = array<i64: 128, 256>}, {pipeline_mode = #tpu.pipeline_mode<synchronous>, transform_indices = @transform_8, window_bounds = array<i64: 1, 256>}, {pipeline_mode = #tpu.pipeline_mode<synchronous>, transform_indices = @transform_9, window_bounds = array<i64: 256, 768>}, {pipeline_mode = #tpu.pipeline_mode<synchronous>, transform_indices = @transform_10, window_bounds = array<i64: 1, 768>}, {pipeline_mode = #tpu.pipeline_mode<synchronous>, transform_indices = @transform_11, window_bounds = array<i64: 256, 768>}, {pipeline_mode = #tpu.pipeline_mode<synchronous>, transform_indices = @transform_12, window_bounds = array<i64: 1, 768>}, {pipeline_mode = #tpu.pipeline_mode<synchronous>, transform_indices = @transform_13, window_bounds = array<i64: 256, 128>}, {pipeline_mode = #tpu.pipeline_mode<synchronous>, transform_indices = @transform_14, window_bounds = array<i64: 256, 128>}, {pipeline_mode = #tpu.pipeline_mode<synchronous>, transform_indices = @transform_15, window_bounds = array<i64: 1, 128>}, {pipeline_mode = #tpu.pipeline_mode<synchronous>, transform_indices = @transform_16, window_bounds = array<i64: 1, 128>}, {pipeline_mode = #tpu.pipeline_mode<synchronous>, transform_indices = @transform_17, window_bounds = array<i64: 1, 1>}, {}, {}, {}, {transform_indices = @transform_21, window_bounds = array<i64: 1, 1, 2048>}, {transform_indices = @transform_22, window_bounds = array<i64: 2048, 256>}, {transform_indices = @transform_23, window_bounds = array<i64: 2048, 256>}]} {
    %get3A = arith.constant 0 : index
    %get3A_0 = arith.constant 0 : index
    %get3A_1 = vector.load %arg1[%get3A, %get3A_0] : memref<2048x256xf32, #tpu.memory_space<vmem>>, vector<2048x256xf32>
    %get3A_2 = arith.constant 0 : index
    %get3A_3 = arith.constant 0 : index
    %get3A_4 = vector.load %arg2[%get3A_2, %get3A_3] : memref<2048x256xf32, #tpu.memory_space<vmem>>, vector<2048x256xf32>
    %get3A_5 = arith.constant 0 : index
    %get3A_6 = arith.constant 0 : index
    %get3A_7 = vector.load %arg3[%get3A_5, %get3A_6] : memref<2048x1xf32, #tpu.memory_space<vmem>>, vector<2048x1xf32>
    %get3A_8 = arith.constant 0 : index
    %get3A_9 = arith.constant 0 : index
    %get3A_10 = vector.load %arg4[%get3A_8, %get3A_9] : memref<256x128xf32, #tpu.memory_space<vmem>>, vector<256x128xf32>
    %convert_element_type3A = arith.truncf %get3A_1 : vector<2048x256xf32> to vector<2048x256xbf16>
    %convert_element_type3A_11 = arith.truncf %get3A_10 : vector<256x128xf32> to vector<256x128xbf16>
    %dot_general3A = arith.constant dense<0.000000e+00> : vector<2048x128xf32>
    %dot_general3A_12 = tpu.matmul %convert_element_type3A, %convert_element_type3A_11, %dot_general3A {dimension_numbers = #tpu.dot_dimension_numbers<[1], [0], [0], [1], [0, 0, 1, 1], [], []>, transpose_lhs_hint = false} : vector<2048x256xbf16>, vector<256x128xbf16>, vector<2048x128xf32> -> vector<2048x128xf32>
    %get3A_13 = arith.constant 0 : index
    %get3A_14 = arith.constant 0 : index
    %get3A_15 = vector.load %arg5[%get3A_13, %get3A_14] : memref<256x128xf32, #tpu.memory_space<vmem>>, vector<256x128xf32>
    %convert_element_type3A_16 = arith.truncf %get3A_4 : vector<2048x256xf32> to vector<2048x256xbf16>
    %convert_element_type3A_17 = arith.truncf %get3A_15 : vector<256x128xf32> to vector<256x128xbf16>
    %dot_general3A_18 = arith.constant dense<0.000000e+00> : vector<2048x128xf32>
    %dot_general3A_19 = tpu.matmul %convert_element_type3A_16, %convert_element_type3A_17, %dot_general3A_18 {dimension_numbers = #tpu.dot_dimension_numbers<[1], [0], [0], [1], [0, 0, 1, 1], [], []>, transpose_lhs_hint = false} : vector<2048x256xbf16>, vector<256x128xbf16>, vector<2048x128xf32> -> vector<2048x128xf32>
    %add3A = arith.addf %dot_general3A_12, %dot_general3A_19 : vector<2048x128xf32>
    %get3A_20 = arith.constant 0 : index
    %get3A_21 = arith.constant 0 : index
    %get3A_22 = vector.load %arg6[%get3A_20, %get3A_21] : memref<1x128xf32, #tpu.memory_space<vmem>>, vector<1x128xf32>
    %mul3A = vector.broadcast %get3A_7 : vector<2048x1xf32> to vector<2048x128xf32>
    %mul3A_23 = vector.broadcast %get3A_22 : vector<1x128xf32> to vector<2048x128xf32>
    %mul3A_24 = arith.mulf %mul3A, %mul3A_23 : vector<2048x128xf32>
    %add3A_25 = arith.addf %add3A, %mul3A_24 : vector<2048x128xf32>
    %get3A_26 = arith.constant 0 : index
    %get3A_27 = arith.constant 0 : index
    %get3A_28 = vector.load %arg7[%get3A_26, %get3A_27] : memref<1x128xf32, #tpu.memory_space<vmem>>, vector<1x128xf32>
    %add3A_29 = vector.broadcast %get3A_28 : vector<1x128xf32> to vector<2048x128xf32>
    %add3A_30 = arith.addf %add3A_25, %add3A_29 : vector<2048x128xf32>
    %max3A = arith.constant 0.000000e+00 : f32
    %max3A_31 = vector.broadcast %max3A : f32 to vector<2048x128xf32>
    %max3A_32 = arith.maximumf %add3A_30, %max3A_31 : vector<2048x128xf32>
    %get3A_33 = arith.constant 0 : index
    %get3A_34 = arith.constant 0 : index
    %get3A_35 = vector.load %arg8[%get3A_33, %get3A_34] : memref<128x256xf32, #tpu.memory_space<vmem>>, vector<128x256xf32>
    %convert_element_type3A_36 = arith.truncf %max3A_32 : vector<2048x128xf32> to vector<2048x128xbf16>
    %convert_element_type3A_37 = arith.truncf %get3A_35 : vector<128x256xf32> to vector<128x256xbf16>
    %dot_general3A_38 = arith.constant dense<0.000000e+00> : vector<2048x256xf32>
    %dot_general3A_39 = tpu.matmul %convert_element_type3A_36, %convert_element_type3A_37, %dot_general3A_38 {dimension_numbers = #tpu.dot_dimension_numbers<[1], [0], [0], [1], [0, 0, 1, 1], [], []>, transpose_lhs_hint = false} : vector<2048x128xbf16>, vector<128x256xbf16>, vector<2048x256xf32> -> vector<2048x256xf32>
    %get3A_40 = arith.constant 0 : index
    %get3A_41 = arith.constant 0 : index
    %get3A_42 = vector.load %arg9[%get3A_40, %get3A_41] : memref<1x256xf32, #tpu.memory_space<vmem>>, vector<1x256xf32>
    %add3A_43 = vector.broadcast %get3A_42 : vector<1x256xf32> to vector<2048x256xf32>
    %add3A_44 = arith.addf %dot_general3A_39, %add3A_43 : vector<2048x256xf32>
    %get3A_45 = arith.constant 0 : index
    %get3A_46 = arith.constant 0 : index
    %get3A_47 = vector.load %arg10[%get3A_45, %get3A_46] : memref<256x768xf32, #tpu.memory_space<vmem>>, vector<256x768xf32>
    %convert_element_type3A_48 = arith.truncf %add3A_44 : vector<2048x256xf32> to vector<2048x256xbf16>
    %convert_element_type3A_49 = arith.truncf %get3A_47 : vector<256x768xf32> to vector<256x768xbf16>
    %dot_general3A_50 = arith.constant dense<0.000000e+00> : vector<2048x768xf32>
    %dot_general3A_51 = tpu.matmul %convert_element_type3A_48, %convert_element_type3A_49, %dot_general3A_50 {dimension_numbers = #tpu.dot_dimension_numbers<[1], [0], [0], [1], [0, 0, 1, 1], [], []>, transpose_lhs_hint = false} : vector<2048x256xbf16>, vector<256x768xbf16>, vector<2048x768xf32> -> vector<2048x768xf32>
    %get3A_52 = arith.constant 0 : index
    %get3A_53 = arith.constant 0 : index
    %get3A_54 = vector.load %arg11[%get3A_52, %get3A_53] : memref<1x768xf32, #tpu.memory_space<vmem>>, vector<1x768xf32>
    %add3A_55 = vector.broadcast %get3A_54 : vector<1x768xf32> to vector<2048x768xf32>
    %add3A_56 = arith.addf %dot_general3A_51, %add3A_55 : vector<2048x768xf32>
    %convert_element_type3A_57 = arith.truncf %add3A_56 : vector<2048x768xf32> to vector<2048x768xbf16>
    %get3A_58 = arith.constant 0 : index
    %get3A_59 = arith.constant 0 : index
    %get3A_60 = vector.load %arg12[%get3A_58, %get3A_59] : memref<256x768xf32, #tpu.memory_space<vmem>>, vector<256x768xf32>
    %convert_element_type3A_61 = arith.truncf %get3A_1 : vector<2048x256xf32> to vector<2048x256xbf16>
    %convert_element_type3A_62 = arith.truncf %get3A_60 : vector<256x768xf32> to vector<256x768xbf16>
    %dot_general3A_63 = arith.constant dense<0.000000e+00> : vector<2048x768xf32>
    %dot_general3A_64 = tpu.matmul %convert_element_type3A_61, %convert_element_type3A_62, %dot_general3A_63 {dimension_numbers = #tpu.dot_dimension_numbers<[1], [0], [0], [1], [0, 0, 1, 1], [], []>, transpose_lhs_hint = false} : vector<2048x256xbf16>, vector<256x768xbf16>, vector<2048x768xf32> -> vector<2048x768xf32>
    %get3A_65 = arith.constant 0 : index
    %get3A_66 = arith.constant 0 : index
    %get3A_67 = vector.load %arg13[%get3A_65, %get3A_66] : memref<1x768xf32, #tpu.memory_space<vmem>>, vector<1x768xf32>
    %add3A_68 = vector.broadcast %get3A_67 : vector<1x768xf32> to vector<2048x768xf32>
    %add3A_69 = arith.addf %dot_general3A_64, %add3A_68 : vector<2048x768xf32>
    %convert_element_type3A_70 = arith.truncf %add3A_69 : vector<2048x768xf32> to vector<2048x768xbf16>
    %get3A_71 = arith.constant 0 : index
    %get3A_72 = arith.constant 0 : index
    %get3A_73 = vector.load %arg12[%get3A_71, %get3A_72] : memref<256x768xf32, #tpu.memory_space<vmem>>, vector<256x768xf32>
    %convert_element_type3A_74 = arith.truncf %get3A_4 : vector<2048x256xf32> to vector<2048x256xbf16>
    %convert_element_type3A_75 = arith.truncf %get3A_73 : vector<256x768xf32> to vector<256x768xbf16>
    %dot_general3A_76 = arith.constant dense<0.000000e+00> : vector<2048x768xf32>
    %dot_general3A_77 = tpu.matmul %convert_element_type3A_74, %convert_element_type3A_75, %dot_general3A_76 {dimension_numbers = #tpu.dot_dimension_numbers<[1], [0], [0], [1], [0, 0, 1, 1], [], []>, transpose_lhs_hint = false} : vector<2048x256xbf16>, vector<256x768xbf16>, vector<2048x768xf32> -> vector<2048x768xf32>
    %get3A_78 = arith.constant 0 : index
    %get3A_79 = arith.constant 0 : index
    %get3A_80 = vector.load %arg13[%get3A_78, %get3A_79] : memref<1x768xf32, #tpu.memory_space<vmem>>, vector<1x768xf32>
    %add3A_81 = vector.broadcast %get3A_80 : vector<1x768xf32> to vector<2048x768xf32>
    %add3A_82 = arith.addf %dot_general3A_77, %add3A_81 : vector<2048x768xf32>
    %convert_element_type3A_83 = arith.truncf %add3A_82 : vector<2048x768xf32> to vector<2048x768xbf16>
    %slice3A = vector.extract_strided_slice %convert_element_type3A_57 {offsets = [0, 0], sizes = [2048, 256], strides = [1, 1]} : vector<2048x768xbf16> to vector<2048x256xbf16>
    %slice3A_84 = vector.extract_strided_slice %convert_element_type3A_57 {offsets = [0, 256], sizes = [2048, 256], strides = [1, 1]} : vector<2048x768xbf16> to vector<2048x256xbf16>
    %slice3A_85 = vector.extract_strided_slice %convert_element_type3A_57 {offsets = [0, 512], sizes = [2048, 256], strides = [1, 1]} : vector<2048x768xbf16> to vector<2048x256xbf16>
    %slice3A_86 = vector.extract_strided_slice %convert_element_type3A_70 {offsets = [0, 0], sizes = [2048, 256], strides = [1, 1]} : vector<2048x768xbf16> to vector<2048x256xbf16>
    %slice3A_87 = vector.extract_strided_slice %convert_element_type3A_70 {offsets = [0, 256], sizes = [2048, 256], strides = [1, 1]} : vector<2048x768xbf16> to vector<2048x256xbf16>
    %slice3A_88 = vector.extract_strided_slice %convert_element_type3A_70 {offsets = [0, 512], sizes = [2048, 256], strides = [1, 1]} : vector<2048x768xbf16> to vector<2048x256xbf16>
    %add3A_89 = arith.addf %slice3A, %slice3A_86 : vector<2048x256xbf16>
    %tanh3A = math.tanh %add3A_89 : vector<2048x256xbf16>
    %mul3A_90 = arith.constant 5.000000e-01 : bf16
    %mul3A_91 = vector.broadcast %mul3A_90 : bf16 to vector<2048x256xbf16>
    %mul3A_92 = arith.mulf %mul3A_91, %tanh3A : vector<2048x256xbf16>
    %add3A_93 = arith.constant 5.000000e-01 : bf16
    %add3A_94 = vector.broadcast %add3A_93 : bf16 to vector<2048x256xbf16>
    %add3A_95 = arith.addf %mul3A_92, %add3A_94 : vector<2048x256xbf16>
    %add3A_96 = arith.addf %slice3A_84, %slice3A_87 : vector<2048x256xbf16>
    %tanh3A_97 = math.tanh %add3A_96 : vector<2048x256xbf16>
    %mul3A_98 = arith.constant 5.000000e-01 : bf16
    %mul3A_99 = vector.broadcast %mul3A_98 : bf16 to vector<2048x256xbf16>
    %mul3A_100 = arith.mulf %mul3A_99, %tanh3A_97 : vector<2048x256xbf16>
    %add3A_101 = arith.constant 5.000000e-01 : bf16
    %add3A_102 = vector.broadcast %add3A_101 : bf16 to vector<2048x256xbf16>
    %add3A_103 = arith.addf %mul3A_100, %add3A_102 : vector<2048x256xbf16>
    %mul3A_104 = arith.mulf %add3A_95, %slice3A_88 : vector<2048x256xbf16>
    %add3A_105 = arith.addf %slice3A_85, %mul3A_104 : vector<2048x256xbf16>
    %tanh3A_106 = math.tanh %add3A_105 : vector<2048x256xbf16>
    %convert_element_type3A_107 = arith.truncf %get3A_1 : vector<2048x256xf32> to vector<2048x256xbf16>
    %sub3A = arith.subf %convert_element_type3A_107, %tanh3A_106 : vector<2048x256xbf16>
    %mul3A_108 = arith.mulf %add3A_103, %sub3A : vector<2048x256xbf16>
    %add3A_109 = arith.addf %tanh3A_106, %mul3A_108 : vector<2048x256xbf16>
    %convert_element_type3A_110 = arith.extf %add3A_109 : vector<2048x256xbf16> to vector<2048x256xf32>
    %slice3A_111 = vector.extract_strided_slice %convert_element_type3A_57 {offsets = [0, 0], sizes = [2048, 256], strides = [1, 1]} : vector<2048x768xbf16> to vector<2048x256xbf16>
    %slice3A_112 = vector.extract_strided_slice %convert_element_type3A_57 {offsets = [0, 256], sizes = [2048, 256], strides = [1, 1]} : vector<2048x768xbf16> to vector<2048x256xbf16>
    %slice3A_113 = vector.extract_strided_slice %convert_element_type3A_57 {offsets = [0, 512], sizes = [2048, 256], strides = [1, 1]} : vector<2048x768xbf16> to vector<2048x256xbf16>
    %slice3A_114 = vector.extract_strided_slice %convert_element_type3A_83 {offsets = [0, 0], sizes = [2048, 256], strides = [1, 1]} : vector<2048x768xbf16> to vector<2048x256xbf16>
    %slice3A_115 = vector.extract_strided_slice %convert_element_type3A_83 {offsets = [0, 256], sizes = [2048, 256], strides = [1, 1]} : vector<2048x768xbf16> to vector<2048x256xbf16>
    %slice3A_116 = vector.extract_strided_slice %convert_element_type3A_83 {offsets = [0, 512], sizes = [2048, 256], strides = [1, 1]} : vector<2048x768xbf16> to vector<2048x256xbf16>
    %add3A_117 = arith.addf %slice3A_111, %slice3A_114 : vector<2048x256xbf16>
    %tanh3A_118 = math.tanh %add3A_117 : vector<2048x256xbf16>
    %mul3A_119 = arith.constant 5.000000e-01 : bf16
    %mul3A_120 = vector.broadcast %mul3A_119 : bf16 to vector<2048x256xbf16>
    %mul3A_121 = arith.mulf %mul3A_120, %tanh3A_118 : vector<2048x256xbf16>
    %add3A_122 = arith.constant 5.000000e-01 : bf16
    %add3A_123 = vector.broadcast %add3A_122 : bf16 to vector<2048x256xbf16>
    %add3A_124 = arith.addf %mul3A_121, %add3A_123 : vector<2048x256xbf16>
    %add3A_125 = arith.addf %slice3A_112, %slice3A_115 : vector<2048x256xbf16>
    %tanh3A_126 = math.tanh %add3A_125 : vector<2048x256xbf16>
    %mul3A_127 = arith.constant 5.000000e-01 : bf16
    %mul3A_128 = vector.broadcast %mul3A_127 : bf16 to vector<2048x256xbf16>
    %mul3A_129 = arith.mulf %mul3A_128, %tanh3A_126 : vector<2048x256xbf16>
    %add3A_130 = arith.constant 5.000000e-01 : bf16
    %add3A_131 = vector.broadcast %add3A_130 : bf16 to vector<2048x256xbf16>
    %add3A_132 = arith.addf %mul3A_129, %add3A_131 : vector<2048x256xbf16>
    %mul3A_133 = arith.mulf %add3A_124, %slice3A_116 : vector<2048x256xbf16>
    %add3A_134 = arith.addf %slice3A_113, %mul3A_133 : vector<2048x256xbf16>
    %tanh3A_135 = math.tanh %add3A_134 : vector<2048x256xbf16>
    %convert_element_type3A_136 = arith.truncf %get3A_4 : vector<2048x256xf32> to vector<2048x256xbf16>
    %sub3A_137 = arith.subf %convert_element_type3A_136, %tanh3A_135 : vector<2048x256xbf16>
    %mul3A_138 = arith.mulf %add3A_132, %sub3A_137 : vector<2048x256xbf16>
    %add3A_139 = arith.addf %tanh3A_135, %mul3A_138 : vector<2048x256xbf16>
    %convert_element_type3A_140 = arith.extf %add3A_139 : vector<2048x256xbf16> to vector<2048x256xf32>
    %swap3A = arith.constant 0 : index
    %swap3A_141 = arith.constant 0 : index
    %swap3A_142 = vector.load %arg23[%swap3A, %swap3A_141] : memref<2048x256xf32, #tpu.memory_space<vmem>>, vector<2048x256xf32>
    tpu.vector_store %arg23[%swap3A, %swap3A_141], %convert_element_type3A_110 {strides = array<i32>} : memref<2048x256xf32, #tpu.memory_space<vmem>>, vector<2048x256xf32>,
    %swap3A_143 = arith.constant 0 : index
    %swap3A_144 = arith.constant 0 : index
    %swap3A_145 = vector.load %arg24[%swap3A_143, %swap3A_144] : memref<2048x256xf32, #tpu.memory_space<vmem>>, vector<2048x256xf32>
    tpu.vector_store %arg24[%swap3A_143, %swap3A_144], %convert_element_type3A_140 {strides = array<i32>} : memref<2048x256xf32, #tpu.memory_space<vmem>>, vector<2048x256xf32>,
    %get3A_146 = arith.constant 0 : index
    %get3A_147 = arith.constant 0 : index
    %get3A_148 = vector.load %arg14[%get3A_146, %get3A_147] : memref<256x128xf32, #tpu.memory_space<vmem>>, vector<256x128xf32>
    %convert_element_type3A_149 = arith.truncf %convert_element_type3A_110 : vector<2048x256xf32> to vector<2048x256xbf16>
    %convert_element_type3A_150 = arith.truncf %get3A_148 : vector<256x128xf32> to vector<256x128xbf16>
    %dot_general3A_151 = arith.constant dense<0.000000e+00> : vector<2048x128xf32>
    %dot_general3A_152 = tpu.matmul %convert_element_type3A_149, %convert_element_type3A_150, %dot_general3A_151 {dimension_numbers = #tpu.dot_dimension_numbers<[1], [0], [0], [1], [0, 0, 1, 1], [], []>, transpose_lhs_hint = false} : vector<2048x256xbf16>, vector<256x128xbf16>, vector<2048x128xf32> -> vector<2048x128xf32>
    %get3A_153 = arith.constant 0 : index
    %get3A_154 = arith.constant 0 : index
    %get3A_155 = vector.load %arg15[%get3A_153, %get3A_154] : memref<256x128xf32, #tpu.memory_space<vmem>>, vector<256x128xf32>
    %convert_element_type3A_156 = arith.truncf %convert_element_type3A_140 : vector<2048x256xf32> to vector<2048x256xbf16>
    %convert_element_type3A_157 = arith.truncf %get3A_155 : vector<256x128xf32> to vector<256x128xbf16>
    %dot_general3A_158 = arith.constant dense<0.000000e+00> : vector<2048x128xf32>
    %dot_general3A_159 = tpu.matmul %convert_element_type3A_156, %convert_element_type3A_157, %dot_general3A_158 {dimension_numbers = #tpu.dot_dimension_numbers<[1], [0], [0], [1], [0, 0, 1, 1], [], []>, transpose_lhs_hint = false} : vector<2048x256xbf16>, vector<256x128xbf16>, vector<2048x128xf32> -> vector<2048x128xf32>
    %add3A_160 = arith.addf %dot_general3A_152, %dot_general3A_159 : vector<2048x128xf32>
    %get3A_161 = arith.constant 0 : index
    %get3A_162 = arith.constant 0 : index
    %get3A_163 = vector.load %arg16[%get3A_161, %get3A_162] : memref<1x128xf32, #tpu.memory_space<vmem>>, vector<1x128xf32>
    %add3A_164 = vector.broadcast %get3A_163 : vector<1x128xf32> to vector<2048x128xf32>
    %add3A_165 = arith.addf %add3A_160, %add3A_164 : vector<2048x128xf32>
    %max3A_166 = arith.constant 0.000000e+00 : f32
    %max3A_167 = vector.broadcast %max3A_166 : f32 to vector<2048x128xf32>
    %max3A_168 = arith.maximumf %add3A_165, %max3A_167 : vector<2048x128xf32>
    %get3A_169 = arith.constant 0 : index
    %get3A_170 = arith.constant 0 : index
    %get3A_171 = vector.load %arg17[%get3A_169, %get3A_170] : memref<1x128xf32, #tpu.memory_space<vmem>>, vector<1x128xf32>
    %convert_element_type3A_172 = arith.truncf %get3A_171 : vector<1x128xf32> to vector<1x128xbf16>
    %convert_element_type3A_173 = arith.truncf %max3A_168 : vector<2048x128xf32> to vector<2048x128xbf16>
    %dot_general3A_174 = arith.constant dense<0.000000e+00> : vector<1x2048xf32>
    %dot_general3A_175 = tpu.matmul %convert_element_type3A_172, %convert_element_type3A_173, %dot_general3A_174 {dimension_numbers = #tpu.dot_dimension_numbers<[1], [1], [0], [0], [0, 0, 1, 0], [], []>, transpose_lhs_hint = false} : vector<1x128xbf16>, vector<2048x128xbf16>, vector<1x2048xf32> -> vector<1x2048xf32>
    %get3A_176 = arith.constant 0 : index
    %get3A_177 = arith.constant 0 : index
    %get3A_178 = vector.load %arg18[%get3A_176, %get3A_177] : memref<1x1xf32, #tpu.memory_space<vmem>>, vector<1x1xf32>
    %add3A_179 = vector.broadcast %get3A_178 : vector<1x1xf32> to vector<1x2048xf32>
    %add3A_180 = arith.addf %dot_general3A_175, %add3A_179 : vector<1x2048xf32>
    %reshape3A = vector.shape_cast %add3A_180 : vector<1x2048xf32> to vector<1x1x2048xf32>
    %swap3A_181 = arith.constant 0 : index
    %swap3A_182 = arith.constant 0 : index
    %swap3A_183 = arith.constant 0 : index
    %swap3A_184 = vector.load %arg22[%swap3A_181, %swap3A_182, %swap3A_183] : memref<1x1x2048xf32, #tpu.memory_space<vmem>>, vector<1x1x2048xf32>
    tpu.vector_store %arg22[%swap3A_181, %swap3A_182, %swap3A_183], %reshape3A {strides = array<i32>} : memref<1x1x2048xf32, #tpu.memory_space<vmem>>, vector<1x1x2048xf32>,
    return
  }
  func.func @transform_0(%arg0: i32) -> (i32, i32) {
    %c0_i32 = arith.constant 0 : i32
    %c0_i32_0 = arith.constant 0 : i32
    return %arg0, %c0_i32 : i32, i32
  }
  func.func @transform_1(%arg0: i32) -> (i32, i32) {
    %add3A = arith.constant 5 : i32
    %add3A_0 = arith.addi %arg0, %add3A : i32
    %c0_i32 = arith.constant 0 : i32
    %c0_i32_1 = arith.constant 0 : i32
    return %add3A_0, %c0_i32 : i32, i32
  }
  func.func @transform_2(%arg0: i32) -> (i32, i32) {
    %add3A = arith.constant 3 : i32
    %add3A_0 = arith.addi %arg0, %add3A : i32
    %c0_i32 = arith.constant 0 : i32
    %c0_i32_1 = arith.constant 0 : i32
    return %add3A_0, %c0_i32 : i32, i32
  }
  func.func @transform_3(%arg0: i32) -> (i32, i32) {
    %c0_i32 = arith.constant 0 : i32
    %c0_i32_0 = arith.constant 0 : i32
    %c0_i32_1 = arith.constant 0 : i32
    return %c0_i32, %c0_i32_0 : i32, i32
  }
  func.func @transform_4(%arg0: i32) -> (i32, i32) {
    %c0_i32 = arith.constant 0 : i32
    %c0_i32_0 = arith.constant 0 : i32
    %c0_i32_1 = arith.constant 0 : i32
    return %c0_i32, %c0_i32_0 : i32, i32
  }
  func.func @transform_5(%arg0: i32) -> (i32, i32) {
    %c0_i32 = arith.constant 0 : i32
    %c0_i32_0 = arith.constant 0 : i32
    %c0_i32_1 = arith.constant 0 : i32
    return %c0_i32, %c0_i32_0 : i32, i32
  }
  func.func @transform_6(%arg0: i32) -> (i32, i32) {
    %c0_i32 = arith.constant 0 : i32
    %c0_i32_0 = arith.constant 0 : i32
    %c0_i32_1 = arith.constant 0 : i32
    return %c0_i32, %c0_i32_0 : i32, i32
  }
  func.func @transform_7(%arg0: i32) -> (i32, i32) {
    %c0_i32 = arith.constant 0 : i32
    %c0_i32_0 = arith.constant 0 : i32
    %c0_i32_1 = arith.constant 0 : i32
    return %c0_i32, %c0_i32_0 : i32, i32
  }
  func.func @transform_8(%arg0: i32) -> (i32, i32) {
    %c0_i32 = arith.constant 0 : i32
    %c0_i32_0 = arith.constant 0 : i32
    %c0_i32_1 = arith.constant 0 : i32
    return %c0_i32, %c0_i32_0 : i32, i32
  }
  func.func @transform_9(%arg0: i32) -> (i32, i32) {
    %c0_i32 = arith.constant 0 : i32
    %c0_i32_0 = arith.constant 0 : i32
    %c0_i32_1 = arith.constant 0 : i32
    return %c0_i32, %c0_i32_0 : i32, i32
  }
  func.func @transform_10(%arg0: i32) -> (i32, i32) {
    %c0_i32 = arith.constant 0 : i32
    %c0_i32_0 = arith.constant 0 : i32
    %c0_i32_1 = arith.constant 0 : i32
    return %c0_i32, %c0_i32_0 : i32, i32
  }
  func.func @transform_11(%arg0: i32) -> (i32, i32) {
    %c0_i32 = arith.constant 0 : i32
    %c0_i32_0 = arith.constant 0 : i32
    %c0_i32_1 = arith.constant 0 : i32
    return %c0_i32, %c0_i32_0 : i32, i32
  }
  func.func @transform_12(%arg0: i32) -> (i32, i32) {
    %c0_i32 = arith.constant 0 : i32
    %c0_i32_0 = arith.constant 0 : i32
    %c0_i32_1 = arith.constant 0 : i32
    return %c0_i32, %c0_i32_0 : i32, i32
  }
  func.func @transform_13(%arg0: i32) -> (i32, i32) {
    %c0_i32 = arith.constant 0 : i32
    %c0_i32_0 = arith.constant 0 : i32
    %c0_i32_1 = arith.constant 0 : i32
    return %c0_i32, %c0_i32_0 : i32, i32
  }
  func.func @transform_14(%arg0: i32) -> (i32, i32) {
    %c0_i32 = arith.constant 0 : i32
    %c0_i32_0 = arith.constant 0 : i32
    %c0_i32_1 = arith.constant 0 : i32
    return %c0_i32, %c0_i32_0 : i32, i32
  }
  func.func @transform_15(%arg0: i32) -> (i32, i32) {
    %c0_i32 = arith.constant 0 : i32
    %c0_i32_0 = arith.constant 0 : i32
    %c0_i32_1 = arith.constant 0 : i32
    return %c0_i32, %c0_i32_0 : i32, i32
  }
  func.func @transform_16(%arg0: i32) -> (i32, i32) {
    %c0_i32 = arith.constant 0 : i32
    %c0_i32_0 = arith.constant 0 : i32
    %c0_i32_1 = arith.constant 0 : i32
    return %c0_i32, %c0_i32_0 : i32, i32
  }
  func.func @transform_17(%arg0: i32) -> (i32, i32) {
    %c0_i32 = arith.constant 0 : i32
    %c0_i32_0 = arith.constant 0 : i32
    %c0_i32_1 = arith.constant 0 : i32
    return %c0_i32, %c0_i32_0 : i32, i32
  }
  func.func @transform_21(%arg0: i32) -> (i32, i32, i32) {
    %add3A = arith.constant 3 : i32
    %add3A_0 = arith.addi %arg0, %add3A : i32
    %c0_i32 = arith.constant 0 : i32
    %c0_i32_1 = arith.constant 0 : i32
    %c0_i32_2 = arith.constant 0 : i32
    return %add3A_0, %c0_i32, %c0_i32_1 : i32, i32, i32
  }
  func.func @transform_22(%arg0: i32) -> (i32, i32) {
    %add3A = arith.constant 3 : i32
    %add3A_0 = arith.addi %arg0, %add3A : i32
    %c0_i32 = arith.constant 0 : i32
    %c0_i32_1 = arith.constant 0 : i32
    return %add3A_0, %c0_i32 : i32, i32
  }
  func.func @transform_23(%arg0: i32) -> (i32, i32) {
    %add3A = arith.constant 3 : i32
    %add3A_0 = arith.addi %arg0, %add3A : i32
    %c0_i32 = arith.constant 0 : i32
    %c0_i32_1 = arith.constant 0 : i32
    return %add3A_0, %c0_i32 : i32, i32
  }
}

</mosaic_0001>

<sc_bundles>
// kernel: kernel.6.cloned.1.call-start
scs
__scs_entry_jumppad:
0x0: {  	(pc) =	sbr.rel $0x88, $3  }
0x1: {  	(tag) =	ssettag $0x0;
	lr =	simm.s32 $0x1  }
0x2: {  	[smem:$0x3F91] =	sst lr;
	_ =	strace $0xD0000000  }
0x3: {  	_ = 	snop  }
0x4: {  	_ = 	snop  }
0x5: {  	_ = 	snop  }
0x6: {  	_ = 	snop  }
0x7: {  	_ = 	snop  }
__scs_overlays_trampoline_lowered:
0x8: {  	[smem:$0x3FA0] =	sst s0  }
0x9: {  	[smem:$0x3FA1] =	sst s1  }
0xa: {  	[smem:$0x3FA2] =	sst s2  }
0xb: {  	[smem:$0x3FA3] =	sst s3  }
0xc: {  	[smem:$0x3FA4] =	sst s4  }
0xd: {  	[smem:$0x3FA5] =	sst s5  }
0xe: {  	[smem:$0x3FA6] =	sst s6  }
0xf: {  	[smem:$0x3FA7] =	sst s7  }
0x10: {  	[smem:$0x3FA8] =	sst s8  }
0x11: {  	[smem:$0x3FA9] =	sst s9;
	s0 =	simm.s32 @!p0 $0x0  }
0x12: {  	s1 =	sld [smem:$0x3F8F];
	s0 =	simm.s32 @p0 $0x1  }
0x13: {  	[smem:$0x3FAA] =	sst s0;
	s0 =	simm.s32 @!p1 $0x0  }
0x14: {  	s2 =	sld [smem:$0x3F8E];
	s0 =	simm.s32 @p1 $0x1  }
0x15: {  	[smem:$0x3FAB] =	sst s0;
	s0 =	simm.s32 @!p2 $0x0  }
0x16: {  	s3 =	sld [smem:$0x3FDB];
	s0 =	simm.s32 @p2 $0x1  }
0x17: {  	s4 =	simm.s32 $0x1BF5;
	[smem:$0x3FAD] =	sst s0  }
0x18: {  	s0 =	sld [smem:$0x3F90];
	_ =	swait.ge [sflag:s4], $0x0  }
0x19: {  	s7 =	sld [smem:$0x3F91]  }
0x1a: {  	s8 =	sadd.s32 $0xFFFFE003, lr  }
0x1b: {  	s9 =	sadd.s32 $0xFFFFFEF7, lr;
	s5 =	simm.s32 $0xFFFFFFFF;
	p2 =	slt.u32 s8, $0xFFFFF086  }
0x1c: {  	p1 =	slt.u32 s9, $0xF7A;
	s5 =	simm.s32 @!p2 $0x0  }
0x1d: {  	s5 =	simm.s32 @p1 $0x1;
	p0 =	seq.s32 s7, s2  }
0x1e: {  	s7 =	smul.u32 @!p0 $0xF7A, s2;
	p2 =	seq.s32 @!p0 s5, $0x0  }
0x1f: {  	s9 =	smul.u32 $0xF7A, s1;
	s8 =	simm.s32 @!p0 $0x1BF5;
	p2 =	por !p2, p0  }
0x20: {  	[sflag:s8] =	ssyncset.s32 @!p0 $0xFFFFF086;
	s6 =	sadd.s32 @!p0 s3, s7;
	s7 =	simm.s32 @!p0 $0x108  }
0x21: {  	s3 =	sadd.s32 s3, s9;
	s6 =	sadd.s32 @!p0 $0x88, s6;
	s7 =	simm.s32 @p2 $0x1082  }
0x22: {  	[simem:s7], [sflag:s8] =	dma.local @!p0 [hbm:s6], $0xF7A  }
0x23: {  	s9 =	sor.u32 $0xD0000000, s2;
	s6 =	simm.s32 $0x108;
	_ =	swait.ge @!p0 [sflag:s8], $0x0  }
0x24: {  	s3 =	sadd.s32 $0x88, s3;
	s6 =	simm.s32 @!p1 $0x1082;
	[sflag:s4] =	ssyncset.s32 $0xFFFFF086  }
0x25: {  	[simem:s6], [sflag:s4] =	dma.local [hbm:s3], $0xF7A  }
0x26: {  	[smem:$0x3F91] =	sst s1;
	(tag) =	ssettag s2;
	_ =	strace s9  }
0x27: {  	s1 =	sld [smem:$0x3FA1]  }
0x28: {  	s2 =	sld [smem:$0x3FA2]  }
0x29: {  	s4 =	sld [smem:$0x3FA4]  }
0x2a: {  	p0 =	seq.s32 s5, $0x0;
	s5 =	sld [smem:$0x3FA5]  }
0x2b: {  	s6 =	sld [smem:$0x3FA6]  }
0x2c: {  	s7 =	sld [smem:$0x3FA7]  }
0x2d: {  	s3 =	simm.s32 $0x108;
	s8 =	sld [smem:$0x3FA8]  }
0x2e: {  	s3 =	simm.s32 @!p0 $0x1082;
	s9 =	sld [smem:$0x3FA9]  }
0x2f: {  	lr =	sadd.s32 s0, s3;
	s0 =	sld [smem:$0x3FA0]  }
0x30: {  	s3 =	sld [smem:$0x3FA3]  }
0x31: {  	[smem:$0x3FAC] =	sst s10  }
0x32: {  	s10 =	sld [smem:$0x3FAA];
	_ =	sdelay $0x3  }
0x33: {  	p0 =	seq.s32 s10, $0x1;
	s10 =	sld [smem:$0x3FAC];
	_ =	sdelay $0x3  }
0x34: {  	[smem:$0x3FAC] =	sst s10  }
0x35: {  	s10 =	sld [smem:$0x3FAB];
	_ =	sdelay $0x3  }
0x36: {  	p1 =	seq.s32 s10, $0x1;
	s10 =	sld [smem:$0x3FAC];
	_ =	sdelay $0x3  }
0x37: {  	[smem:$0x3FAC] =	sst s10  }
0x38: {  	s10 =	sld [smem:$0x3FAD]  }
0x39: {  	_ = 	snop;
	(pc) =	sbr.ind lr, $3  }
0x3a: {  	_ = 	snop  }
0x3b: {  	_ = 	snop  }
0x3c: {  	p2 =	seq.s32 s10, $0x1;
	s10 =	sld [smem:$0x3FAC]  }
0x3d: {  	_ =	shalt  }
0x3e: {  	_ =	shalt  }
0x3f: {  	_ =	shalt  }
0x40: {  	_ =	shalt  }
0x41: {  	_ =	shalt  }
0x42: {  	_ =	shalt  }
0x43: {  	_ =	shalt  }
0x44: {  	_ =	shalt  }
0x45: {  	_ =	shalt  }
0x46: {  	_ =	shalt  }
0x47: {  	_ =	shalt  }
0x48: {  	_ =	shalt  }
0x49: {  	_ =	shalt  }
0x4a: {  	_ =	shalt  }
0x4b: {  	_ =	shalt  }
0x4c: {  	_ =	shalt  }
0x4d: {  	_ =	shalt  }
0x4e: {  	_ =	shalt  }
0x4f: {  	_ =	shalt  }
0x50: {  	_ =	shalt  }
0x51: {  	_ =	shalt  }
0x52: {  	_ =	shalt  }
0x53: {  	_ =	shalt  }
0x54: {  	_ =	shalt  }
0x55: {  	_ =	shalt  }
0x56: {  	_ =	shalt  }
0x57: {  	_ =	shalt  }
0x58: {  	_ =	shalt  }
0x59: {  	_ =	shalt  }
0x5a: {  	_ =	shalt  }
0x5b: {  	_ =	shalt  }
0x5c: {  	_ =	shalt  }
0x5d: {  	_ =	shalt  }
0x5e: {  	_ =	shalt  }
0x5f: {  	_ =	shalt  }
0x60: {  	_ =	shalt  }
0x61: {  	_ =	shalt  }
0x62: {  	_ =	shalt  }
0x63: {  	_ =	shalt  }
0x64: {  	_ =	shalt  }
0x65: {  	_ =	shalt  }
0x66: {  	_ =	shalt  }
0x67: {  	_ =	shalt  }
0x68: {  	_ =	shalt  }
0x69: {  	_ =	shalt  }
0x6a: {  	_ =	shalt  }
0x6b: {  	_ =	shalt  }
0x6c: {  	_ =	shalt  }
0x6d: {  	_ =	shalt  }
0x6e: {  	_ =	shalt  }
0x6f: {  	_ =	shalt  }
0x70: {  	_ =	shalt  }
0x71: {  	_ =	shalt  }
0x72: {  	_ =	shalt  }
0x73: {  	_ =	shalt  }
0x74: {  	_ =	shalt  }
0x75: {  	_ =	shalt  }
0x76: {  	_ =	shalt  }
0x77: {  	_ =	shalt  }
0x78: {  	_ =	shalt  }
0x79: {  	_ =	shalt  }
0x7a: {  	_ =	shalt  }
0x7b: {  	_ =	shalt  }
0x7c: {  	_ =	shalt  }
0x7d: {  	_ =	shalt  }
0x7e: {  	_ =	shalt  }
0x7f: {  	_ =	shalt  }
0x80: {  	_ =	shalt  }
0x81: {  	_ =	shalt  }
0x82: {  	_ =	shalt  }
0x83: {  	_ =	shalt  }
0x84: {  	_ =	shalt  }
0x85: {  	_ =	shalt  }
0x86: {  	_ =	shalt  }
0x87: {  	_ =	shalt  }
.Lfunc_end0:
.L_simem_size_0:
called_computation_lowered:
.L_overlay_start_0:
0x88: {  	s2 =	sld [smem:$0x3FD9]  }
0x89: {  	s3 =	sld [smem:$0x3FFE];
	_ =	sdelay $0x1  }
0x8a: {  	s1 =	srdreg.scid  }
0x8b: {  	s0 =	sand.u32 $0x1, s1  }
0x8c: {  	s14 =	sshll.u32 s0, $0xA;
	s2 =	sadd.s32 s3, s2  }
0x8d: {  	s2 =	sadd.s32 s2, s14  }
0x8e: {  	[smem:$0x3FB8] =	sst s2  }
0x8f: {  	_ = 	snop  }
0x90: {  	s2 =	sld [smem:$0x3FD0];
	_ =	sdelay $0x2  }
0x91: {  	s4 =	simm.s32 $0xB;
	s5 =	simm.s32 $0x10;
	s15 =	sld [smem:$0x3FC6]  }
0x92: {  	[smem:s5], [sflag:s4] =	dma.local [hbm:s2], $0x1  }
0x93: {  	_ =	swait.eq [sflag:s4], $0x1  }
0x94: {  	[sflag:s4] =	ssyncset.done $0x0  }
0x95: {  	[sflag:s4] =	ssyncadd.s32 $0xFFFFFFFF  }
0x96: {  	s16 =	sld [smem:$0x10];
	(tm) =	ssettm $0x1  }
0x97: {  	s17 =	sld [smem:$0x3FFB];
	_ =	sdelay $0x3  }
0x98: {  	_ =	strace s17  }
0x99: {  	s4 =	sld [smem:$0x3FFC];
	_ =	sdelay $0x3  }
0x9a: {  	_ =	strace s4  }
0x9b: {  	s4 =	sld [smem:$0x3FFD];
	_ =	sdelay $0x3  }
0x9c: {  	_ =	strace s4  }
0x9d: {  	_ =	strace $0x8FFFFFFF  }
0x9e: {  	s18 =	sld [smem:$0x3FDB];
	_ =	sdelay $0x1  }
0x9f: {  	s19 =	simm.s32 $_scs_section_size  }
0xa0: {  	s6 =	simm.s32 $_size__tile_overlayer_lowered;
	s7 =	simm.s32 $_tile_overlayer_lowered  }
0xa1: {  	s22 =	simm.s32 $0x1BFF;
	s21 =	sshll.u32 s7, $0x1;
	s4 =	sadd.s32 s19, s18  }
0xa2: {  	s8 =	simm.s32 $0x0;
	s20 =	sshll.u32 s6, $0x1;
	s6 =	sadd.s32 s21, s4  }
0xa3: {  	[timem:s8], [sflag:s22] =	dma.local [hbm:s6], s20  }
0xa4: {  	_ =	swait.ge [sflag:s22], s20  }
0xa5: {  	s5 =	ssub.s32 $0x0, s20;
	[sflag:s22] =	ssyncset.done $0x0  }
0xa6: {  	[sflag:s22] =	ssyncadd.s32 s5;
	_ =	sdelay $0x1  }
0xa7: {  	s23 =	simm.s32 $0x1B8B  }
0xa8: {  	_ =	swait.ge [sflag:s23], $0x1  }
0xa9: {  	[sflag:s23] =	ssyncset.done $0x0  }
0xaa: {  	s25 =	simm.s32 $0x1B8E;
	s24 =	sld [smem:$0x3FFE];
	[sflag:s23] =	ssyncadd.s32 $0xFFFFFFFF  }
0xab: {  	s26 =	simm.s32 $execute0_lowered;
	[smem:$0x3FD2] =	sst s25  }
0xac: {  	s6 =	sshll.u32 s26, $0x1;
	_ =	strace $0x80000046;
	[dreg:$0x1] =	wrdreg $0xFFFFFFFF  }
0xad: {  	s28 =	simm.s32 $_size_execute0_lowered;
	s4 =	sadd.s32 s4, s6;
	[dreg:$0x0] =	wrdreg $0x0  }
0xae: {  	s6 =	sshll.u32 s28, $0x1;
	[dreg:$0x2] =	wrdreg s4  }
0xaf: {  	[dreg:$0x3] =	wrdreg s6  }
0xb0: {  	[dreg:$0x4] =	wrdreg $0xC0  }
0xb1: {  	_ =	task [dreg:s8], $0x5FFFF  }
0xb2: {  	[dreg:$0x1] =	wrdreg $0xFFFFFFFF  }
0xb3: {  	[dreg:$0x0] =	wrdreg $0x60  }
0xb4: {  	[dreg:$0x2] =	wrdreg s15  }
0xb5: {  	[dreg:$0x3] =	wrdreg s16  }
0xb6: {  	[dreg:$0x4] =	wrdreg s24  }
0xb7: {  	[dreg:$0x5] =	wrdreg $0x9  }
0xb8: {  	_ =	task.clear_ibuf [dreg:s8], $0x6FFFF;
	_ =	strace $0x90000046  }
0xb9: {  	s29 =	simm.s32 $0x9;
	_ =	strace $0x80000048  }
0xba: {  	_ =	swait.ge [sflag:s29], $0x1  }
0xbb: {  	[sflag:s29] =	ssyncadd.s32 $0xFFFFFFFF  }
0xbc: {  	_ =	strace $0x90000048  }
0xbd: {  	_ =	sfence  }
0xbe: {  	s30 =	sld [smem:$0x0];
	_ =	sdelay $0x2  }
0xbf: {  	s31 =	sshll.u32 s1, $0xD;
	s1 =	sshrl.u32 s1, $0x2  }
0xc0: {  	s3 =	sand.u32 $0x4000, s31;
	s1 =	sadd.s32 s1, s30  }
0xc1: {  	s0 =	sor.u32 s3, s0;
	s1 =	sshll.u32 s1, $0x11  }
0xc2: {  	s0 =	sor.u32 s1, s0  }
0xc3: {  	s0 =	sadd.s32 $0x8F2B, s0  }
0xc4: {  	[sflag:s0] =	ssyncadd.remote.s32 $0x1  }
0xc5: {  	_ =	sfence.sel $0xFFFF  }
0xc6: {  	[dreg:$0x0] =	wrdreg $0xFFFFFFFF;
	(pc) =	sbr.abs _section_cstart, $3  }
0xc7: {  	[dreg:$0x1] =	wrdreg $0xFFFFFFFF  }
0xc8: {  	_ =	task.clear_ibuf [dreg:s8], $0x2FFFF;
	_ =	strace $0x9FFFFFFF  }
0xc9: {  	(tm) =	ssettm $0x7FFFFFFF  }
tec
execute0_lowered:
.L_overlay_start_1:
0x0: {  	(tag) =	ssettag $0x1  }
0x1: {  	s1 =	rddreg [dreg:$0x0]  }
0x2: {  	s2 =	rddreg [dreg:$0x1];
	s3 =	srdreg.scid  }
0x3: {  	s0 =	stileid.u32;
	s4 =	rddreg [dreg:$0x2];
	s9 =	simm.s32 $0x1A00  }
0x4: {  	s10 =	simm.s32 $0x2200;
	s11 =	simm.s32 $0x2A00;
	s17 =	simm.s32 $0x8A00  }
0x5: {  	s18 =	simm.s32 $0x9200;
	s19 =	simm.s32 $0x9A00;
	s20 =	simm.s32 $0xA200  }
0x6: {  	s21 =	simm.s32 $0xAA00;
	s22 =	simm.s32 $0xB200;
	s23 =	simm.s32 $0xBA00  }
0x7: {  	s24 =	simm.s32 $0xC200;
	s5 =	sand.u32 $0x1, s3;
	s3 =	simm.s32 $0x0  }
0x8: {  	s25 =	simm.s32 $0xCA00;
	s26 =	simm.s32 $0xD200;
	[smem:$0x7FF] =	sst s3  }
0x9: {  	s28 =	simm.s32 $0xF200;
	_ =	strace $0x80000047;
	[dreg:$0x8] =	wrdreg s17  }
0xa: {  	s29 =	simm.s32 $0xFA00;
	s30 =	simm.s32 $0x2;
	[dreg:$0x9] =	wrdreg s18  }
0xb: {  	s31 =	simm.s32 $0x3;
	s6 =	sshll.u32 s0, $0x1;
	[dreg:$0xa] =	wrdreg s19  }
0xc: {  	s4 =	sadd.s32 $0x3600, s4;
	s6 =	sor.u32 s5, s6;
	[dreg:$0xb] =	wrdreg s20  }
0xd: {  	s5 =	ssub.s32 $0x2, s5;
	s7 =	smul.u32 $0x18000, s6;
	[dreg:$0xc] =	wrdreg s21  }
0xe: {  	s8 =	sshll.u32 s6, $0x6;
	s6 =	smul.u32 $0x3000, s6;
	[dreg:$0xd] =	wrdreg s22  }
0xf: {  	s14 =	sshrl.u32 s5, $0x1;
	s17 =	simm.s32 $0x5A00;
	[dreg:$0xe] =	wrdreg s23  }
0x10: {  	s18 =	simm.s32 $0x6200;
	s19 =	simm.s32 $0x6A00;
	[dreg:$0xf] =	wrdreg s24  }
0x11: {  	s20 =	simm.s32 $0x7200;
	s21 =	simm.s32 $0x7A00;
	[dreg:$0x10] =	wrdreg s25  }
0x12: {  	s22 =	simm.s32 $0x1;
	s23 =	simm.s32 $0x8200;
	[dreg:$0x11] =	wrdreg s26  }
0x13: {  	s25 =	simm.s32 $0xE200;
	s26 =	simm.s32 $0xEA00;
	s2 =	sadd.s32 s2, s8  }
0x14: {  	s16 =	ssub.s32 s5, s14;
	s5 =	simm.s32 $0x5;
	s8 =	simm.s32 $0x1200  }
0x15: {  	s14 =	simm.s32 $0x4200;
	s7 =	sshrl.u32 s7, $0x3;
	[dreg:$0x4] =	wrdreg s2  }
0x16: {  	s12 =	sadd.s32 s4, s6;
	s6 =	simm.s32 $0x200;
	s2 =	simm.s32 $0x4  }
0x17: {  	s4 =	sadd.s32 s4, s7;
	[dreg:$0x5] =	wrdreg s12;
	s7 =	simm.s32 $0xA00  }
0x18: {  	v2 =	vlaneseq.u32;
	s12 =	simm.s32 $0x3200;
	s13 =	sadd.s32 $0x1000, s4;
	s15 =	sadd.s32 $0x2000, s4  }
0x19: {  	vm0 =	vmmov $0xffff;
	v1 =	vshrl.u32 v2, $0x3;
	s4 =	smax.u32 s16, $0x1;
	s16 =	simm.s32 $0x5200;
	[dreg:$0x6] =	wrdreg s13  }
0x1a: {  	v0 =	vand.u32 $0x7, v2;
	v2 =	vor.u32 $0x8, v2;
	v1 =	vmul.u32 $0x8, v1;
	[dreg:$0x7] =	wrdreg s15;
	s13 =	simm.s32 $0x3A00;
	s15 =	simm.s32 $0x4A00  }
.LBB2_1:
0x1b: {  	s0 =	rddreg [dreg:$0x4]  }
0x1c: {  	[tilespmem:s3], [sflag:$0x5] =	stream.linear.gather [hbm4b:s0+s3], $0x180, $0x38;
	[tilespmem:$0x10200] =	vst v63  }
0x1d: {  	_ =	swait.ge [sflag:s5], $0x180  }
0x1e: {  	[sflag:s5] =	ssyncset.done $0x0  }
0x1f: {  	[sflag:s5] =	ssyncadd.s32 $0xFFFFFE80  }
0x20: {  	v3 =	vld [tilespmem:$0x0];
	_ =	sdelay $0x4  }
0x21: {  	v4 =	vshll.u32 v3, $0x1  }
0x22: {  	v3 =	vand.u32 $0x7, v3;
	v4 =	vand.u32 $0xFFFFFFF0, v4  }
0x23: {  	v3 =	vor.u32 v3, v4  }
0x24: {  	v4 =	vperm.xlane v3, v0;
	_ =	sdelay $0x1  }
0x25: {  	v3 =	vperm.xlane v3, v2;
	v4 =	vadd.s32 v1, v4;
	_ =	sdelay $0x1  }
0x26: {  	v3 =	vadd.s32 v1, v3;
	_ =	sdelay $0x2  }
0x27: {  	[tilespmem:s6], [sflag:$0x1] =	stream.indirect_vreg.gather [hbm4b:s1+s3], $0x80, v4, vm0, $0xb8;
	[tilespmem:$0x10200] =	vst v63  }
0x28: {  	_ = 	snop  }
0x29: {  	[tilespmem:s7], [sflag:$0x1] =	stream.indirect_vreg.gather [hbm4b:s1+s3], $0x80, v3, vm0, $0xb8;
	[tilespmem:$0x10200] =	vst v63  }
0x2a: {  	v3 =	vld [tilespmem:$0x10];
	_ =	sdelay $0x4  }
0x2b: {  	v41 =	vshll.u32 v3, $0x1  }
0x2c: {  	v3 =	vand.u32 $0x7, v3;
	v4 =	vand.u32 $0xFFFFFFF0, v41  }
0x2d: {  	v3 =	vor.u32 v3, v4  }
0x2e: {  	v4 =	vperm.xlane v3, v0;
	_ =	sdelay $0x1  }
0x2f: {  	v3 =	vperm.xlane v3, v2;
	v4 =	vadd.s32 v1, v4;
	_ =	sdelay $0x1  }
0x30: {  	v3 =	vadd.s32 v1, v3;
	_ =	sdelay $0x2  }
0x31: {  	[tilespmem:s8], [sflag:$0x1] =	stream.indirect_vreg.gather [hbm4b:s1+s3], $0x80, v4, vm0, $0xb8;
	[tilespmem:$0x10200] =	vst v63  }
0x32: {  	_ = 	snop  }
0x33: {  	[tilespmem:s9], [sflag:$0x1] =	stream.indirect_vreg.gather [hbm4b:s1+s3], $0x80, v3, vm0, $0xb8;
	[tilespmem:$0x10200] =	vst v63  }
0x34: {  	v3 =	vld [tilespmem:$0x20];
	_ =	sdelay $0x4  }
0x35: {  	v42 =	vshll.u32 v3, $0x1  }
0x36: {  	v3 =	vand.u32 $0x7, v3;
	v4 =	vand.u32 $0xFFFFFFF0, v42  }
0x37: {  	v3 =	vor.u32 v3, v4  }
0x38: {  	v4 =	vperm.xlane v3, v0;
	_ =	sdelay $0x1  }
0x39: {  	v3 =	vperm.xlane v3, v2;
	v4 =	vadd.s32 v1, v4;
	_ =	sdelay $0x1  }
0x3a: {  	v3 =	vadd.s32 v1, v3;
	_ =	sdelay $0x2  }
0x3b: {  	[tilespmem:s10], [sflag:$0x1] =	stream.indirect_vreg.gather [hbm4b:s1+s3], $0x80, v4, vm0, $0xb8;
	[tilespmem:$0x10200] =	vst v63  }
0x3c: {  	_ = 	snop  }
0x3d: {  	[tilespmem:s11], [sflag:$0x1] =	stream.indirect_vreg.gather [hbm4b:s1+s3], $0x80, v3, vm0, $0xb8;
	[tilespmem:$0x10200] =	vst v63  }
0x3e: {  	v3 =	vld [tilespmem:$0x30];
	_ =	sdelay $0x4  }
0x3f: {  	v43 =	vshll.u32 v3, $0x1  }
0x40: {  	v3 =	vand.u32 $0x7, v3;
	v4 =	vand.u32 $0xFFFFFFF0, v43  }
0x41: {  	v3 =	vor.u32 v3, v4  }
0x42: {  	v4 =	vperm.xlane v3, v0;
	_ =	sdelay $0x1  }
0x43: {  	v3 =	vperm.xlane v3, v2;
	v4 =	vadd.s32 v1, v4;
	_ =	sdelay $0x1  }
0x44: {  	v3 =	vadd.s32 v1, v3;
	_ =	sdelay $0x2  }
0x45: {  	[tilespmem:s12], [sflag:$0x1] =	stream.indirect_vreg.gather [hbm4b:s1+s3], $0x80, v4, vm0, $0xb8;
	[tilespmem:$0x10200] =	vst v63  }
0x46: {  	_ = 	snop  }
0x47: {  	[tilespmem:s13], [sflag:$0x1] =	stream.indirect_vreg.gather [hbm4b:s1+s3], $0x80, v3, vm0, $0xb8;
	[tilespmem:$0x10200] =	vst v63  }
0x48: {  	v3 =	vld [tilespmem:$0x40];
	_ =	sdelay $0x4  }
0x49: {  	v44 =	vshll.u32 v3, $0x1  }
0x4a: {  	v3 =	vand.u32 $0x7, v3;
	v4 =	vand.u32 $0xFFFFFFF0, v44  }
0x4b: {  	v3 =	vor.u32 v3, v4  }
0x4c: {  	v4 =	vperm.xlane v3, v0;
	_ =	sdelay $0x1  }
0x4d: {  	v3 =	vperm.xlane v3, v2;
	v4 =	vadd.s32 v1, v4;
	_ =	sdelay $0x1  }
0x4e: {  	v3 =	vadd.s32 v1, v3;
	_ =	sdelay $0x2  }
0x4f: {  	[tilespmem:s14], [sflag:$0x1] =	stream.indirect_vreg.gather [hbm4b:s1+s3], $0x80, v4, vm0, $0xb8;
	[tilespmem:$0x10200] =	vst v63  }
0x50: {  	_ = 	snop  }
0x51: {  	[tilespmem:s15], [sflag:$0x1] =	stream.indirect_vreg.gather [hbm4b:s1+s3], $0x80, v3, vm0, $0xb8;
	[tilespmem:$0x10200] =	vst v63  }
0x52: {  	v3 =	vld [tilespmem:$0x50];
	_ =	sdelay $0x4  }
0x53: {  	v45 =	vshll.u32 v3, $0x1  }
0x54: {  	v3 =	vand.u32 $0x7, v3;
	v4 =	vand.u32 $0xFFFFFFF0, v45  }
0x55: {  	v3 =	vor.u32 v3, v4  }
0x56: {  	v4 =	vperm.xlane v3, v0;
	_ =	sdelay $0x1  }
0x57: {  	v3 =	vperm.xlane v3, v2;
	v4 =	vadd.s32 v1, v4;
	_ =	sdelay $0x1  }
0x58: {  	v3 =	vadd.s32 v1, v3;
	_ =	sdelay $0x2  }
0x59: {  	[tilespmem:s16], [sflag:$0x1] =	stream.indirect_vreg.gather [hbm4b:s1+s3], $0x80, v4, vm0, $0xb8;
	[tilespmem:$0x10200] =	vst v63  }
0x5a: {  	_ = 	snop  }
0x5b: {  	[tilespmem:s17], [sflag:$0x1] =	stream.indirect_vreg.gather [hbm4b:s1+s3], $0x80, v3, vm0, $0xb8;
	[tilespmem:$0x10200] =	vst v63  }
0x5c: {  	v3 =	vld [tilespmem:$0x60];
	_ =	sdelay $0x4  }
0x5d: {  	v46 =	vshll.u32 v3, $0x1  }
0x5e: {  	v3 =	vand.u32 $0x7, v3;
	v4 =	vand.u32 $0xFFFFFFF0, v46  }
0x5f: {  	v3 =	vor.u32 v3, v4  }
0x60: {  	v4 =	vperm.xlane v3, v0;
	_ =	sdelay $0x1  }
0x61: {  	v3 =	vperm.xlane v3, v2;
	v4 =	vadd.s32 v1, v4;
	_ =	sdelay $0x1  }
0x62: {  	v3 =	vadd.s32 v1, v3;
	_ =	sdelay $0x2  }
0x63: {  	[tilespmem:s18], [sflag:$0x1] =	stream.indirect_vreg.gather [hbm4b:s1+s3], $0x80, v4, vm0, $0xb8;
	[tilespmem:$0x10200] =	vst v63  }
0x64: {  	_ = 	snop  }
0x65: {  	[tilespmem:s19], [sflag:$0x1] =	stream.indirect_vreg.gather [hbm4b:s1+s3], $0x80, v3, vm0, $0xb8;
	[tilespmem:$0x10200] =	vst v63  }
0x66: {  	v3 =	vld [tilespmem:$0x70];
	_ =	sdelay $0x4  }
0x67: {  	v47 =	vshll.u32 v3, $0x1  }
0x68: {  	v3 =	vand.u32 $0x7, v3;
	v4 =	vand.u32 $0xFFFFFFF0, v47  }
0x69: {  	v3 =	vor.u32 v3, v4  }
0x6a: {  	v4 =	vperm.xlane v3, v0;
	_ =	sdelay $0x1  }
0x6b: {  	v3 =	vperm.xlane v3, v2;
	v4 =	vadd.s32 v1, v4;
	_ =	sdelay $0x1  }
0x6c: {  	v3 =	vadd.s32 v1, v3;
	_ =	sdelay $0x2  }
0x6d: {  	[tilespmem:s20], [sflag:$0x1] =	stream.indirect_vreg.gather [hbm4b:s1+s3], $0x80, v4, vm0, $0xb8;
	[tilespmem:$0x10200] =	vst v63  }
0x6e: {  	_ = 	snop  }
0x6f: {  	[tilespmem:s21], [sflag:$0x1] =	stream.indirect_vreg.gather [hbm4b:s1+s3], $0x80, v3, vm0, $0xb8;
	[tilespmem:$0x10200] =	vst v63  }
0x70: {  	_ =	swait.ge [sflag:s22], $0x8000  }
0x71: {  	[sflag:s22] =	ssyncset.done $0x0  }
0x72: {  	s24 =	rddreg [dreg:$0x5];
	[sflag:s22] =	ssyncadd.s32 $0xFFFF8000  }
0x73: {  	[hbm4b:s24+s3] =	stream.linear.scatter [tilespmem:s6], [sflag:$0x3], $0x8000, $0x38;
	[tilespmem:$0x10200] =	vst v63  }
0x74: {  	v3 =	vld [tilespmem:$0x80];
	_ =	sdelay $0x4  }
0x75: {  	v48 =	vshll.u32 v3, $0x1  }
0x76: {  	v3 =	vand.u32 $0x7, v3;
	v4 =	vand.u32 $0xFFFFFFF0, v48  }
0x77: {  	v3 =	vor.u32 v3, v4  }
0x78: {  	v4 =	vperm.xlane v3, v0;
	_ =	sdelay $0x1  }
0x79: {  	v3 =	vperm.xlane v3, v2;
	v4 =	vadd.s32 v1, v4;
	_ =	sdelay $0x1  }
0x7a: {  	v3 =	vadd.s32 v1, v3;
	_ =	sdelay $0x2  }
0x7b: {  	[tilespmem:s23], [sflag:$0x2] =	stream.indirect_vreg.gather [hbm4b:s1+s3], $0x80, v4, vm0, $0xb8;
	[tilespmem:$0x10200] =	vst v63  }
0x7c: {  	s24 =	rddreg [dreg:$0x8]  }
0x7d: {  	[tilespmem:s24], [sflag:$0x2] =	stream.indirect_vreg.gather [hbm4b:s1+s3], $0x80, v3, vm0, $0xb8;
	[tilespmem:$0x10200] =	vst v63  }
0x7e: {  	v3 =	vld [tilespmem:$0x90];
	_ =	sdelay $0x4  }
0x7f: {  	v49 =	vshll.u32 v3, $0x1  }
0x80: {  	v3 =	vand.u32 $0x7, v3;
	v4 =	vand.u32 $0xFFFFFFF0, v49  }
0x81: {  	v3 =	vor.u32 v3, v4  }
0x82: {  	v4 =	vperm.xlane v3, v0;
	_ =	sdelay $0x1  }
0x83: {  	v3 =	vperm.xlane v3, v2;
	v4 =	vadd.s32 v1, v4;
	_ =	sdelay $0x1  }
0x84: {  	v3 =	vadd.s32 v1, v3;
	_ =	sdelay $0x1  }
0x85: {  	s0 =	rddreg [dreg:$0x9]  }
0x86: {  	[tilespmem:s0], [sflag:$0x2] =	stream.indirect_vreg.gather [hbm4b:s1+s3], $0x80, v4, vm0, $0xb8;
	[tilespmem:$0x10200] =	vst v63  }
0x87: {  	s24 =	rddreg [dreg:$0xa]  }
0x88: {  	[tilespmem:s24], [sflag:$0x2] =	stream.indirect_vreg.gather [hbm4b:s1+s3], $0x80, v3, vm0, $0xb8;
	[tilespmem:$0x10200] =	vst v63  }
0x89: {  	v3 =	vld [tilespmem:$0xA0];
	_ =	sdelay $0x4  }
0x8a: {  	v50 =	vshll.u32 v3, $0x1  }
0x8b: {  	v3 =	vand.u32 $0x7, v3;
	v4 =	vand.u32 $0xFFFFFFF0, v50  }
0x8c: {  	v3 =	vor.u32 v3, v4  }
0x8d: {  	v4 =	vperm.xlane v3, v0;
	_ =	sdelay $0x1  }
0x8e: {  	v3 =	vperm.xlane v3, v2;
	v4 =	vadd.s32 v1, v4;
	_ =	sdelay $0x1  }
0x8f: {  	v3 =	vadd.s32 v1, v3;
	_ =	sdelay $0x1  }
0x90: {  	s0 =	rddreg [dreg:$0xb]  }
0x91: {  	[tilespmem:s0], [sflag:$0x2] =	stream.indirect_vreg.gather [hbm4b:s1+s3], $0x80, v4, vm0, $0xb8;
	[tilespmem:$0x10200] =	vst v63  }
0x92: {  	s24 =	rddreg [dreg:$0xc]  }
0x93: {  	[tilespmem:s24], [sflag:$0x2] =	stream.indirect_vreg.gather [hbm4b:s1+s3], $0x80, v3, vm0, $0xb8;
	[tilespmem:$0x10200] =	vst v63  }
0x94: {  	v3 =	vld [tilespmem:$0xB0];
	_ =	sdelay $0x4  }
0x95: {  	v51 =	vshll.u32 v3, $0x1  }
0x96: {  	v3 =	vand.u32 $0x7, v3;
	v4 =	vand.u32 $0xFFFFFFF0, v51  }
0x97: {  	v3 =	vor.u32 v3, v4  }
0x98: {  	v4 =	vperm.xlane v3, v0;
	_ =	sdelay $0x1  }
0x99: {  	v3 =	vperm.xlane v3, v2;
	v4 =	vadd.s32 v1, v4;
	_ =	sdelay $0x1  }
0x9a: {  	v3 =	vadd.s32 v1, v3;
	_ =	sdelay $0x1  }
0x9b: {  	s0 =	rddreg [dreg:$0xd]  }
0x9c: {  	[tilespmem:s0], [sflag:$0x2] =	stream.indirect_vreg.gather [hbm4b:s1+s3], $0x80, v4, vm0, $0xb8;
	[tilespmem:$0x10200] =	vst v63  }
0x9d: {  	s24 =	rddreg [dreg:$0xe]  }
0x9e: {  	[tilespmem:s24], [sflag:$0x2] =	stream.indirect_vreg.gather [hbm4b:s1+s3], $0x80, v3, vm0, $0xb8;
	[tilespmem:$0x10200] =	vst v63  }
0x9f: {  	v3 =	vld [tilespmem:$0xC0];
	_ =	sdelay $0x4  }
0xa0: {  	v52 =	vshll.u32 v3, $0x1  }
0xa1: {  	v3 =	vand.u32 $0x7, v3;
	v4 =	vand.u32 $0xFFFFFFF0, v52  }
0xa2: {  	v3 =	vor.u32 v3, v4  }
0xa3: {  	v4 =	vperm.xlane v3, v0;
	_ =	sdelay $0x1  }
0xa4: {  	v3 =	vperm.xlane v3, v2;
	v4 =	vadd.s32 v1, v4;
	_ =	sdelay $0x1  }
0xa5: {  	v3 =	vadd.s32 v1, v3;
	_ =	sdelay $0x1  }
0xa6: {  	s0 =	rddreg [dreg:$0xf]  }
0xa7: {  	[tilespmem:s0], [sflag:$0x2] =	stream.indirect_vreg.gather [hbm4b:s1+s3], $0x80, v4, vm0, $0xb8;
	[tilespmem:$0x10200] =	vst v63  }
0xa8: {  	s24 =	rddreg [dreg:$0x10]  }
0xa9: {  	[tilespmem:s24], [sflag:$0x2] =	stream.indirect_vreg.gather [hbm4b:s1+s3], $0x80, v3, vm0, $0xb8;
	[tilespmem:$0x10200] =	vst v63  }
0xaa: {  	v3 =	vld [tilespmem:$0xD0];
	_ =	sdelay $0x4  }
0xab: {  	v53 =	vshll.u32 v3, $0x1  }
0xac: {  	v3 =	vand.u32 $0x7, v3;
	v4 =	vand.u32 $0xFFFFFFF0, v53  }
0xad: {  	v3 =	vor.u32 v3, v4  }
0xae: {  	v4 =	vperm.xlane v3, v0;
	_ =	sdelay $0x1  }
0xaf: {  	v3 =	vperm.xlane v3, v2;
	v4 =	vadd.s32 v1, v4;
	_ =	sdelay $0x1  }
0xb0: {  	v3 =	vadd.s32 v1, v3;
	_ =	sdelay $0x1  }
0xb1: {  	s24 =	rddreg [dreg:$0x11]  }
0xb2: {  	[tilespmem:s24], [sflag:$0x2] =	stream.indirect_vreg.gather [hbm4b:s1+s3], $0x80, v4, vm0, $0xb8;
	[tilespmem:$0x10200] =	vst v63  }
0xb3: {  	s24 =	simm.s32 $0xDA00  }
0xb4: {  	[tilespmem:s24], [sflag:$0x2] =	stream.indirect_vreg.gather [hbm4b:s1+s3], $0x80, v3, vm0, $0xb8;
	[tilespmem:$0x10200] =	vst v63  }
0xb5: {  	v3 =	vld [tilespmem:$0xE0];
	_ =	sdelay $0x4  }
0xb6: {  	v54 =	vshll.u32 v3, $0x1  }
0xb7: {  	v3 =	vand.u32 $0x7, v3;
	v4 =	vand.u32 $0xFFFFFFF0, v54  }
0xb8: {  	v3 =	vor.u32 v3, v4  }
0xb9: {  	v4 =	vperm.xlane v3, v0;
	_ =	sdelay $0x1  }
0xba: {  	v3 =	vperm.xlane v3, v2;
	v4 =	vadd.s32 v1, v4;
	_ =	sdelay $0x1  }
0xbb: {  	v3 =	vadd.s32 v1, v3;
	_ =	sdelay $0x2  }
0xbc: {  	[tilespmem:s25], [sflag:$0x2] =	stream.indirect_vreg.gather [hbm4b:s1+s3], $0x80, v4, vm0, $0xb8;
	[tilespmem:$0x10200] =	vst v63  }
0xbd: {  	_ = 	snop  }
0xbe: {  	[tilespmem:s26], [sflag:$0x2] =	stream.indirect_vreg.gather [hbm4b:s1+s3], $0x80, v3, vm0, $0xb8;
	[tilespmem:$0x10200] =	vst v63  }
0xbf: {  	v3 =	vld [tilespmem:$0xF0];
	_ =	sdelay $0x4  }
0xc0: {  	v55 =	vshll.u32 v3, $0x1  }
0xc1: {  	v3 =	vand.u32 $0x7, v3;
	v4 =	vand.u32 $0xFFFFFFF0, v55  }
0xc2: {  	v3 =	vor.u32 v3, v4  }
0xc3: {  	v4 =	vperm.xlane v3, v0;
	_ =	sdelay $0x1  }
0xc4: {  	v3 =	vperm.xlane v3, v2;
	v4 =	vadd.s32 v1, v4;
	_ =	sdelay $0x1  }
0xc5: {  	v3 =	vadd.s32 v1, v3;
	_ =	sdelay $0x2  }
0xc6: {  	[tilespmem:s28], [sflag:$0x2] =	stream.indirect_vreg.gather [hbm4b:s1+s3], $0x80, v4, vm0, $0xb8;
	[tilespmem:$0x10200] =	vst v63  }
0xc7: {  	_ = 	snop  }
0xc8: {  	[tilespmem:s29], [sflag:$0x2] =	stream.indirect_vreg.gather [hbm4b:s1+s3], $0x80, v3, vm0, $0xb8;
	[tilespmem:$0x10200] =	vst v63  }
0xc9: {  	_ =	swait.ge [sflag:s30], $0x8000  }
0xca: {  	[sflag:s30] =	ssyncset.done $0x0  }
0xcb: {  	s24 =	rddreg [dreg:$0x6];
	[sflag:s30] =	ssyncadd.s32 $0xFFFF8000  }
0xcc: {  	[hbm4b:s24+s3] =	stream.linear.scatter [tilespmem:s23], [sflag:$0x4], $0x8000, $0x38;
	[tilespmem:$0x10200] =	vst v63  }
0xcd: {  	_ =	swait.ge [sflag:s31], $0x8000  }
0xce: {  	[sflag:s31] =	ssyncset.done $0x0  }
0xcf: {  	[sflag:s31] =	ssyncadd.s32 $0xFFFF8000  }
0xd0: {  	v3 =	vld [tilespmem:$0x100];
	_ =	sdelay $0x4  }
0xd1: {  	v56 =	vshll.u32 v3, $0x1  }
0xd2: {  	v3 =	vand.u32 $0x7, v3;
	v4 =	vand.u32 $0xFFFFFFF0, v56  }
0xd3: {  	v3 =	vor.u32 v3, v4  }
0xd4: {  	v4 =	vperm.xlane v3, v0;
	_ =	sdelay $0x1  }
0xd5: {  	v3 =	vperm.xlane v3, v2;
	v4 =	vadd.s32 v1, v4;
	_ =	sdelay $0x1  }
0xd6: {  	v3 =	vadd.s32 v1, v3;
	_ =	sdelay $0x2  }
0xd7: {  	[tilespmem:s6], [sflag:$0x1] =	stream.indirect_vreg.gather [hbm4b:s1+s3], $0x80, v4, vm0, $0xb8;
	[tilespmem:$0x10200] =	vst v63  }
0xd8: {  	_ = 	snop  }
0xd9: {  	[tilespmem:s7], [sflag:$0x1] =	stream.indirect_vreg.gather [hbm4b:s1+s3], $0x80, v3, vm0, $0xb8;
	[tilespmem:$0x10200] =	vst v63  }
0xda: {  	v3 =	vld [tilespmem:$0x110];
	_ =	sdelay $0x4  }
0xdb: {  	v57 =	vshll.u32 v3, $0x1  }
0xdc: {  	v3 =	vand.u32 $0x7, v3;
	v4 =	vand.u32 $0xFFFFFFF0, v57  }
0xdd: {  	v3 =	vor.u32 v3, v4  }
0xde: {  	v4 =	vperm.xlane v3, v0;
	_ =	sdelay $0x1  }
0xdf: {  	v3 =	vperm.xlane v3, v2;
	v4 =	vadd.s32 v1, v4;
	_ =	sdelay $0x1  }
0xe0: {  	v3 =	vadd.s32 v1, v3;
	_ =	sdelay $0x2  }
0xe1: {  	[tilespmem:s8], [sflag:$0x1] =	stream.indirect_vreg.gather [hbm4b:s1+s3], $0x80, v4, vm0, $0xb8;
	[tilespmem:$0x10200] =	vst v63  }
0xe2: {  	_ = 	snop  }
0xe3: {  	[tilespmem:s9], [sflag:$0x1] =	stream.indirect_vreg.gather [hbm4b:s1+s3], $0x80, v3, vm0, $0xb8;
	[tilespmem:$0x10200] =	vst v63  }
0xe4: {  	v3 =	vld [tilespmem:$0x120];
	_ =	sdelay $0x4  }
0xe5: {  	v58 =	vshll.u32 v3, $0x1  }
0xe6: {  	v3 =	vand.u32 $0x7, v3;
	v4 =	vand.u32 $0xFFFFFFF0, v58  }
0xe7: {  	v3 =	vor.u32 v3, v4  }
0xe8: {  	v4 =	vperm.xlane v3, v0;
	_ =	sdelay $0x1  }
0xe9: {  	v3 =	vperm.xlane v3, v2;
	v4 =	vadd.s32 v1, v4;
	_ =	sdelay $0x1  }
0xea: {  	v3 =	vadd.s32 v1, v3;
	_ =	sdelay $0x2  }
0xeb: {  	[tilespmem:s10], [sflag:$0x1] =	stream.indirect_vreg.gather [hbm4b:s1+s3], $0x80, v4, vm0, $0xb8;
	[tilespmem:$0x10200] =	vst v63  }
0xec: {  	_ = 	snop  }
0xed: {  	[tilespmem:s11], [sflag:$0x1] =	stream.indirect_vreg.gather [hbm4b:s1+s3], $0x80, v3, vm0, $0xb8;
	[tilespmem:$0x10200] =	vst v63  }
0xee: {  	v3 =	vld [tilespmem:$0x130];
	_ =	sdelay $0x4  }
0xef: {  	v59 =	vshll.u32 v3, $0x1  }
0xf0: {  	v3 =	vand.u32 $0x7, v3;
	v4 =	vand.u32 $0xFFFFFFF0, v59  }
0xf1: {  	v3 =	vor.u32 v3, v4  }
0xf2: {  	v4 =	vperm.xlane v3, v0;
	_ =	sdelay $0x1  }
0xf3: {  	v3 =	vperm.xlane v3, v2;
	v4 =	vadd.s32 v1, v4;
	_ =	sdelay $0x1  }
0xf4: {  	v3 =	vadd.s32 v1, v3;
	_ =	sdelay $0x2  }
0xf5: {  	[tilespmem:s12], [sflag:$0x1] =	stream.indirect_vreg.gather [hbm4b:s1+s3], $0x80, v4, vm0, $0xb8;
	[tilespmem:$0x10200] =	vst v63  }
0xf6: {  	_ = 	snop  }
0xf7: {  	[tilespmem:s13], [sflag:$0x1] =	stream.indirect_vreg.gather [hbm4b:s1+s3], $0x80, v3, vm0, $0xb8;
	[tilespmem:$0x10200] =	vst v63  }
0xf8: {  	v3 =	vld [tilespmem:$0x140];
	_ =	sdelay $0x4  }
0xf9: {  	v60 =	vshll.u32 v3, $0x1  }
0xfa: {  	v3 =	vand.u32 $0x7, v3;
	v4 =	vand.u32 $0xFFFFFFF0, v60  }
0xfb: {  	v3 =	vor.u32 v3, v4  }
0xfc: {  	v4 =	vperm.xlane v3, v0;
	_ =	sdelay $0x1  }
0xfd: {  	v3 =	vperm.xlane v3, v2;
	v4 =	vadd.s32 v1, v4;
	_ =	sdelay $0x1  }
0xfe: {  	v3 =	vadd.s32 v1, v3;
	_ =	sdelay $0x2  }
0xff: {  	[tilespmem:s14], [sflag:$0x1] =	stream.indirect_vreg.gather [hbm4b:s1+s3], $0x80, v4, vm0, $0xb8;
	[tilespmem:$0x10200] =	vst v63  }
0x100: {  	_ = 	snop  }
0x101: {  	[tilespmem:s15], [sflag:$0x1] =	stream.indirect_vreg.gather [hbm4b:s1+s3], $0x80, v3, vm0, $0xb8;
	[tilespmem:$0x10200] =	vst v63  }
0x102: {  	v3 =	vld [tilespmem:$0x150];
	_ =	sdelay $0x4  }
0x103: {  	v61 =	vshll.u32 v3, $0x1  }
0x104: {  	v3 =	vand.u32 $0x7, v3;
	v4 =	vand.u32 $0xFFFFFFF0, v61  }
0x105: {  	v3 =	vor.u32 v3, v4  }
0x106: {  	v4 =	vperm.xlane v3, v0;
	_ =	sdelay $0x1  }
0x107: {  	v3 =	vperm.xlane v3, v2;
	v4 =	vadd.s32 v1, v4;
	_ =	sdelay $0x1  }
0x108: {  	v3 =	vadd.s32 v1, v3;
	_ =	sdelay $0x2  }
0x109: {  	[tilespmem:s16], [sflag:$0x1] =	stream.indirect_vreg.gather [hbm4b:s1+s3], $0x80, v4, vm0, $0xb8;
	[tilespmem:$0x10200] =	vst v63  }
0x10a: {  	_ = 	snop  }
0x10b: {  	[tilespmem:s17], [sflag:$0x1] =	stream.indirect_vreg.gather [hbm4b:s1+s3], $0x80, v3, vm0, $0xb8;
	[tilespmem:$0x10200] =	vst v63  }
0x10c: {  	v3 =	vld [tilespmem:$0x160];
	_ =	sdelay $0x4  }
0x10d: {  	v62 =	vshll.u32 v3, $0x1  }
0x10e: {  	v3 =	vand.u32 $0x7, v3;
	v4 =	vand.u32 $0xFFFFFFF0, v62  }
0x10f: {  	v3 =	vor.u32 v3, v4  }
0x110: {  	v4 =	vperm.xlane v3, v0;
	_ =	sdelay $0x1  }
0x111: {  	v3 =	vperm.xlane v3, v2;
	v4 =	vadd.s32 v1, v4;
	_ =	sdelay $0x1  }
0x112: {  	v3 =	vadd.s32 v1, v3;
	_ =	sdelay $0x2  }
0x113: {  	[tilespmem:s18], [sflag:$0x1] =	stream.indirect_vreg.gather [hbm4b:s1+s3], $0x80, v4, vm0, $0xb8;
	[tilespmem:$0x10200] =	vst v63  }
0x114: {  	_ = 	snop  }
0x115: {  	[tilespmem:s19], [sflag:$0x1] =	stream.indirect_vreg.gather [hbm4b:s1+s3], $0x80, v3, vm0, $0xb8;
	[tilespmem:$0x10200] =	vst v63  }
0x116: {  	v3 =	vld [tilespmem:$0x170];
	_ =	sdelay $0x4  }
0x117: {  	v63 =	vshll.u32 v3, $0x1  }
0x118: {  	v3 =	vand.u32 $0x7, v3;
	v4 =	vand.u32 $0xFFFFFFF0, v63  }
0x119: {  	v3 =	vor.u32 v3, v4  }
0x11a: {  	v4 =	vperm.xlane v3, v0;
	_ =	sdelay $0x1  }
0x11b: {  	v3 =	vperm.xlane v3, v2;
	v4 =	vadd.s32 v1, v4;
	_ =	sdelay $0x1  }
0x11c: {  	v3 =	vadd.s32 v1, v3;
	_ =	sdelay $0x2  }
0x11d: {  	[tilespmem:s20], [sflag:$0x1] =	stream.indirect_vreg.gather [hbm4b:s1+s3], $0x80, v4, vm0, $0xb8;
	[tilespmem:$0x10200] =	vst v63  }
0x11e: {  	_ = 	snop  }
0x11f: {  	[tilespmem:s21], [sflag:$0x1] =	stream.indirect_vreg.gather [hbm4b:s1+s3], $0x80, v3, vm0, $0xb8;
	[tilespmem:$0x10200] =	vst v63  }
0x120: {  	_ =	swait.ge [sflag:s22], $0x8000  }
0x121: {  	[sflag:s22] =	ssyncset.done $0x0  }
0x122: {  	s24 =	rddreg [dreg:$0x7];
	[sflag:s22] =	ssyncadd.s32 $0xFFFF8000  }
0x123: {  	[hbm4b:s24+s3] =	stream.linear.scatter [tilespmem:s6], [sflag:$0x3], $0x8000, $0x38;
	[tilespmem:$0x10200] =	vst v63  }
0x124: {  	p0 =	sne.s32 s4, $0x1;
	_ =	swait.ge [sflag:s2], $0x8000  }
.Ltmp0:
0x125: {  	[sflag:s2] =	ssyncset.done $0x0;
	(pc) =	sbr.rel @p0 .LBB2_1-.Ltmp0, $4  }
0x126: {  	[sflag:s2] =	ssyncadd.s32 $0xFFFF8000  }
0x127: {  	_ =	swait.ge [sflag:s31], $0x8000  }
0x128: {  	[sflag:s31] =	ssyncset.done $0x0  }
0x129: {  	s4 =	sadd.s32 $0xFFFFFFFF, s4;
	[sflag:s31] =	ssyncadd.s32 $0xFFFF8000  }
0x12a: {  	_ =	sfence.sel $0x180000  }
0x12b: {  	[bflag:$0x0] =	sbarrier.arrive $0xFFFF  }
0x12c: {  	_ =	strace $0x90000047  }
0x12d: {  	s0 =	stileid.u32;
	[bflag:$0x2] =	sbarrier.arrive $0xFFFF  }
0x12e: {  	p0 =	sne.s32 s0, $0x0;
	s0 =	rddreg [dreg:$0x3]  }
0x12f: {  	s0 =	sadd.s32 @!p0 $0x100000, s0  }
0x130: {  	[sflag:s0] =	ssyncadd.tile.s32 @!p0 $0x1;
	_ =	shalt  }
.Lfunc_end2:
_tile_overlayer_lowered:
.L_overlay_start_2:
0x131: {  	(tag) =	ssettag $0x2  }
0x132: {  	s0 =	rddreg [dreg:$0x0];
	s2 =	stileid.u32  }
0x133: {  	s1 =	rddreg [dreg:$0x1];
	p0 =	sne.s32 s2, $0x0  }
0x134: {  	s3 =	rddreg [dreg:$0x2];
	[bflag:$0x3] =	sbarrier.arrive $0xFFFF;
	s2 =	simm.s32 @!p0 $0x1C05  }
0x135: {  	[timem:s3], [sflag:s2] =	dma.local @!p0 [hbm:s0], s1  }
0x136: {  	s0 =	simm.s32 @!p0 $0x5  }
0x137: {  	_ =	swait.ge @!p0 [sflag:s0], s1  }
0x138: {  	s1 =	ssub.s32 @!p0 $0x0, s1;
	[sflag:s0] =	ssyncset.done @!p0 $0x0  }
0x139: {  	[sflag:s0] =	ssyncadd.s32 @!p0 s1  }
0x13a: {  	[bflag:$0x3] =	sbarrier.arrive $0xFFFF  }
0x13b: {  	_ =	shalt  }

// kernel: kernel.9.cloned.1.call-start
scs
__scs_entry_jumppad:
0x0: {  	(pc) =	sbr.rel $0x88, $3  }
0x1: {  	(tag) =	ssettag $0x0;
	lr =	simm.s32 $0x1  }
0x2: {  	[smem:$0x3F91] =	sst lr;
	_ =	strace $0xD0000000  }
0x3: {  	_ = 	snop  }
0x4: {  	_ = 	snop  }
0x5: {  	_ = 	snop  }
0x6: {  	_ = 	snop  }
0x7: {  	_ = 	snop  }
__scs_overlays_trampoline_lowered:
0x8: {  	[smem:$0x3FA0] =	sst s0  }
0x9: {  	[smem:$0x3FA1] =	sst s1  }
0xa: {  	[smem:$0x3FA2] =	sst s2  }
0xb: {  	[smem:$0x3FA3] =	sst s3  }
0xc: {  	[smem:$0x3FA4] =	sst s4  }
0xd: {  	[smem:$0x3FA5] =	sst s5  }
0xe: {  	[smem:$0x3FA6] =	sst s6  }
0xf: {  	[smem:$0x3FA7] =	sst s7  }
0x10: {  	[smem:$0x3FA8] =	sst s8  }
0x11: {  	[smem:$0x3FA9] =	sst s9;
	s0 =	simm.s32 @!p0 $0x0  }
0x12: {  	s1 =	sld [smem:$0x3F8F];
	s0 =	simm.s32 @p0 $0x1  }
0x13: {  	[smem:$0x3FAA] =	sst s0;
	s0 =	simm.s32 @!p1 $0x0  }
0x14: {  	s2 =	sld [smem:$0x3F8E];
	s0 =	simm.s32 @p1 $0x1  }
0x15: {  	[smem:$0x3FAB] =	sst s0;
	s0 =	simm.s32 @!p2 $0x0  }
0x16: {  	s3 =	sld [smem:$0x3FDB];
	s0 =	simm.s32 @p2 $0x1  }
0x17: {  	s4 =	simm.s32 $0x1BF5;
	[smem:$0x3FAD] =	sst s0  }
0x18: {  	s0 =	sld [smem:$0x3F90];
	_ =	swait.ge [sflag:s4], $0x0  }
0x19: {  	s7 =	sld [smem:$0x3F91]  }
0x1a: {  	s8 =	sadd.s32 $0xFFFFE003, lr  }
0x1b: {  	s9 =	sadd.s32 $0xFFFFFEF7, lr;
	s5 =	simm.s32 $0xFFFFFFFF;
	p2 =	slt.u32 s8, $0xFFFFF086  }
0x1c: {  	p1 =	slt.u32 s9, $0xF7A;
	s5 =	simm.s32 @!p2 $0x0  }
0x1d: {  	s5 =	simm.s32 @p1 $0x1;
	p0 =	seq.s32 s7, s2  }
0x1e: {  	s7 =	smul.u32 @!p0 $0xF7A, s2;
	p2 =	seq.s32 @!p0 s5, $0x0  }
0x1f: {  	s9 =	smul.u32 $0xF7A, s1;
	s8 =	simm.s32 @!p0 $0x1BF5;
	p2 =	por !p2, p0  }
0x20: {  	[sflag:s8] =	ssyncset.s32 @!p0 $0xFFFFF086;
	s6 =	sadd.s32 @!p0 s3, s7;
	s7 =	simm.s32 @!p0 $0x108  }
0x21: {  	s3 =	sadd.s32 s3, s9;
	s6 =	sadd.s32 @!p0 $0x88, s6;
	s7 =	simm.s32 @p2 $0x1082  }
0x22: {  	[simem:s7], [sflag:s8] =	dma.local @!p0 [hbm:s6], $0xF7A  }
0x23: {  	s9 =	sor.u32 $0xD0000000, s2;
	s6 =	simm.s32 $0x108;
	_ =	swait.ge @!p0 [sflag:s8], $0x0  }
0x24: {  	s3 =	sadd.s32 $0x88, s3;
	s6 =	simm.s32 @!p1 $0x1082;
	[sflag:s4] =	ssyncset.s32 $0xFFFFF086  }
0x25: {  	[simem:s6], [sflag:s4] =	dma.local [hbm:s3], $0xF7A  }
0x26: {  	[smem:$0x3F91] =	sst s1;
	(tag) =	ssettag s2;
	_ =	strace s9  }
0x27: {  	s1 =	sld [smem:$0x3FA1]  }
0x28: {  	s2 =	sld [smem:$0x3FA2]  }
0x29: {  	s4 =	sld [smem:$0x3FA4]  }
0x2a: {  	p0 =	seq.s32 s5, $0x0;
	s5 =	sld [smem:$0x3FA5]  }
0x2b: {  	s6 =	sld [smem:$0x3FA6]  }
0x2c: {  	s7 =	sld [smem:$0x3FA7]  }
0x2d: {  	s3 =	simm.s32 $0x108;
	s8 =	sld [smem:$0x3FA8]  }
0x2e: {  	s3 =	simm.s32 @!p0 $0x1082;
	s9 =	sld [smem:$0x3FA9]  }
0x2f: {  	lr =	sadd.s32 s0, s3;
	s0 =	sld [smem:$0x3FA0]  }
0x30: {  	s3 =	sld [smem:$0x3FA3]  }
0x31: {  	[smem:$0x3FAC] =	sst s10  }
0x32: {  	s10 =	sld [smem:$0x3FAA];
	_ =	sdelay $0x3  }
0x33: {  	p0 =	seq.s32 s10, $0x1;
	s10 =	sld [smem:$0x3FAC];
	_ =	sdelay $0x3  }
0x34: {  	[smem:$0x3FAC] =	sst s10  }
0x35: {  	s10 =	sld [smem:$0x3FAB];
	_ =	sdelay $0x3  }
0x36: {  	p1 =	seq.s32 s10, $0x1;
	s10 =	sld [smem:$0x3FAC];
	_ =	sdelay $0x3  }
0x37: {  	[smem:$0x3FAC] =	sst s10  }
0x38: {  	s10 =	sld [smem:$0x3FAD]  }
0x39: {  	_ = 	snop;
	(pc) =	sbr.ind lr, $3  }
0x3a: {  	_ = 	snop  }
0x3b: {  	_ = 	snop  }
0x3c: {  	p2 =	seq.s32 s10, $0x1;
	s10 =	sld [smem:$0x3FAC]  }
0x3d: {  	_ =	shalt  }
0x3e: {  	_ =	shalt  }
0x3f: {  	_ =	shalt  }
0x40: {  	_ =	shalt  }
0x41: {  	_ =	shalt  }
0x42: {  	_ =	shalt  }
0x43: {  	_ =	shalt  }
0x44: {  	_ =	shalt  }
0x45: {  	_ =	shalt  }
0x46: {  	_ =	shalt  }
0x47: {  	_ =	shalt  }
0x48: {  	_ =	shalt  }
0x49: {  	_ =	shalt  }
0x4a: {  	_ =	shalt  }
0x4b: {  	_ =	shalt  }
0x4c: {  	_ =	shalt  }
0x4d: {  	_ =	shalt  }
0x4e: {  	_ =	shalt  }
0x4f: {  	_ =	shalt  }
0x50: {  	_ =	shalt  }
0x51: {  	_ =	shalt  }
0x52: {  	_ =	shalt  }
0x53: {  	_ =	shalt  }
0x54: {  	_ =	shalt  }
0x55: {  	_ =	shalt  }
0x56: {  	_ =	shalt  }
0x57: {  	_ =	shalt  }
0x58: {  	_ =	shalt  }
0x59: {  	_ =	shalt  }
0x5a: {  	_ =	shalt  }
0x5b: {  	_ =	shalt  }
0x5c: {  	_ =	shalt  }
0x5d: {  	_ =	shalt  }
0x5e: {  	_ =	shalt  }
0x5f: {  	_ =	shalt  }
0x60: {  	_ =	shalt  }
0x61: {  	_ =	shalt  }
0x62: {  	_ =	shalt  }
0x63: {  	_ =	shalt  }
0x64: {  	_ =	shalt  }
0x65: {  	_ =	shalt  }
0x66: {  	_ =	shalt  }
0x67: {  	_ =	shalt  }
0x68: {  	_ =	shalt  }
0x69: {  	_ =	shalt  }
0x6a: {  	_ =	shalt  }
0x6b: {  	_ =	shalt  }
0x6c: {  	_ =	shalt  }
0x6d: {  	_ =	shalt  }
0x6e: {  	_ =	shalt  }
0x6f: {  	_ =	shalt  }
0x70: {  	_ =	shalt  }
0x71: {  	_ =	shalt  }
0x72: {  	_ =	shalt  }
0x73: {  	_ =	shalt  }
0x74: {  	_ =	shalt  }
0x75: {  	_ =	shalt  }
0x76: {  	_ =	shalt  }
0x77: {  	_ =	shalt  }
0x78: {  	_ =	shalt  }
0x79: {  	_ =	shalt  }
0x7a: {  	_ =	shalt  }
0x7b: {  	_ =	shalt  }
0x7c: {  	_ =	shalt  }
0x7d: {  	_ =	shalt  }
0x7e: {  	_ =	shalt  }
0x7f: {  	_ =	shalt  }
0x80: {  	_ =	shalt  }
0x81: {  	_ =	shalt  }
0x82: {  	_ =	shalt  }
0x83: {  	_ =	shalt  }
0x84: {  	_ =	shalt  }
0x85: {  	_ =	shalt  }
0x86: {  	_ =	shalt  }
0x87: {  	_ =	shalt  }
.Lfunc_end0:
.L_simem_size_0:
called_computation.1_lowered:
.L_overlay_start_0:
0x88: {  	s2 =	sld [smem:$0x3FD9]  }
0x89: {  	s3 =	sld [smem:$0x3FFE];
	_ =	sdelay $0x1  }
0x8a: {  	s1 =	srdreg.scid  }
0x8b: {  	s0 =	sand.u32 $0x1, s1  }
0x8c: {  	s17 =	sshll.u32 s0, $0xA;
	s2 =	sadd.s32 s3, s2  }
0x8d: {  	s2 =	sadd.s32 s2, s17  }
0x8e: {  	[smem:$0x3FB8] =	sst s2  }
0x8f: {  	_ = 	snop  }
0x90: {  	s18 =	sld [smem:$0x3FC6];
	(tm) =	ssettm $0x1  }
0x91: {  	s19 =	sld [smem:$0x3FFB];
	_ =	sdelay $0x3  }
0x92: {  	_ =	strace s19  }
0x93: {  	s2 =	sld [smem:$0x3FFC];
	_ =	sdelay $0x3  }
0x94: {  	_ =	strace s2  }
0x95: {  	s2 =	sld [smem:$0x3FFD];
	_ =	sdelay $0x3  }
0x96: {  	_ =	strace s2  }
0x97: {  	_ =	strace $0x8FFFFFFF  }
0x98: {  	s20 =	sld [smem:$0x3FDB];
	_ =	sdelay $0x1  }
0x99: {  	s4 =	simm.s32 $_scs_section_size  }
0x9a: {  	s5 =	simm.s32 $_size__tile_overlayer_lowered;
	s6 =	simm.s32 $_tile_overlayer_lowered  }
0x9b: {  	s7 =	simm.s32 $0x1BFF;
	s21 =	sshll.u32 s6, $0x1;
	s4 =	sadd.s32 s4, s20  }
0x9c: {  	s22 =	simm.s32 $0x0;
	s5 =	sshll.u32 s5, $0x1;
	s6 =	sadd.s32 s21, s4  }
0x9d: {  	[timem:s22], [sflag:s7] =	dma.local [hbm:s6], s5  }
0x9e: {  	_ =	swait.ge [sflag:s7], s5  }
0x9f: {  	s5 =	ssub.s32 $0x0, s5;
	[sflag:s7] =	ssyncset.done $0x0  }
0xa0: {  	[sflag:s7] =	ssyncadd.s32 s5;
	_ =	sdelay $0x1  }
0xa1: {  	s23 =	simm.s32 $0x1B8B  }
0xa2: {  	_ =	swait.ge [sflag:s23], $0x1  }
0xa3: {  	[sflag:s23] =	ssyncset.done $0x0  }
0xa4: {  	[sflag:s23] =	ssyncadd.s32 $0xFFFFFFFF  }
0xa5: {  	s5 =	sld [smem:$0x0]  }
0xa6: {  	s6 =	sand.u32 $0xFFFFFFFE, s1  }
0xa7: {  	p0 =	sne.s32 s1, s6  }
0xa8: {  	s6 =	sshll.u32 @p0 s6, $0xE  }
0xa9: {  	s6 =	sadd.s32 @p0 $0x11B8D, s6;
	s7 =	sshll.u32 @p0 s5, $0x11  }
0xaa: {  	s6 =	sor.u32 @p0 s7, s6  }
0xab: {  	[sflag:s6] =	ssyncadd.remote.s32 @p0 $0x1;
	_ =	sdelay $0x1  }
0xac: {  	s6 =	simm.s32 @p0 $0x1B8D  }
0xad: {  	_ =	swait.eq @p0 [sflag:s6], $0x1  }
0xae: {  	[sflag:s6] =	ssyncadd.s32 @p0 $0xFFFFFFFF  }
0xaf: {  	s7 =	sshll.u32 @!p0 s1, $0xE  }
0xb0: {  	s7 =	sor.u32 @!p0 $0x4000, s7;
	s6 =	simm.s32 @!p0 $0x1B8D  }
0xb1: {  	s5 =	sshll.u32 @!p0 s5, $0x11;
	s7 =	sadd.s32 @!p0 $0x11B8D, s7;
	_ =	swait.eq @!p0 [sflag:s6], $0x1  }
0xb2: {  	s5 =	sor.u32 @!p0 s5, s7;
	[sflag:s6] =	ssyncadd.s32 @!p0 $0xFFFFFFFF  }
0xb3: {  	s25 =	simm.s32 $0x1B8E;
	s24 =	sld [smem:$0x3FFE];
	[sflag:s5] =	ssyncadd.remote.s32 @!p0 $0x1  }
0xb4: {  	s26 =	simm.s32 $execute0_lowered;
	[smem:$0x3FD2] =	sst s25  }
0xb5: {  	s6 =	sshll.u32 s26, $0x1;
	_ =	strace $0x80000049;
	[dreg:$0x1] =	wrdreg $0xFFFFFFFF  }
0xb6: {  	s28 =	simm.s32 $_size_execute0_lowered;
	s4 =	sadd.s32 s4, s6;
	[dreg:$0x0] =	wrdreg $0x0  }
0xb7: {  	s6 =	sshll.u32 s28, $0x1;
	[dreg:$0x2] =	wrdreg s4  }
0xb8: {  	[dreg:$0x3] =	wrdreg s6  }
0xb9: {  	[dreg:$0x4] =	wrdreg $0xC0  }
0xba: {  	_ =	task [dreg:s22], $0x5FFFF  }
0xbb: {  	[dreg:$0x1] =	wrdreg $0xFFFFFFFF  }
0xbc: {  	[dreg:$0x0] =	wrdreg $0x60  }
0xbd: {  	[dreg:$0x2] =	wrdreg s18  }
0xbe: {  	[dreg:$0x3] =	wrdreg s24  }
0xbf: {  	[dreg:$0x4] =	wrdreg $0xA  }
0xc0: {  	_ =	task.clear_ibuf [dreg:s22], $0x5FFFF;
	_ =	strace $0x90000049  }
0xc1: {  	s29 =	simm.s32 $0xA;
	_ =	strace $0x8000004B  }
0xc2: {  	_ =	swait.ge [sflag:s29], $0x1  }
0xc3: {  	[sflag:s29] =	ssyncadd.s32 $0xFFFFFFFF  }
0xc4: {  	_ =	strace $0x9000004B  }
0xc5: {  	_ =	sfence  }
0xc6: {  	s30 =	sld [smem:$0x0];
	_ =	sdelay $0x2  }
0xc7: {  	s31 =	sshll.u32 s1, $0xD;
	s1 =	sshrl.u32 s1, $0x2  }
0xc8: {  	s4 =	sand.u32 $0x4000, s31;
	s1 =	sadd.s32 s1, s30  }
0xc9: {  	s0 =	sor.u32 s4, s0;
	s1 =	sshll.u32 s1, $0x11  }
0xca: {  	s0 =	sor.u32 s1, s0  }
0xcb: {  	s0 =	sadd.s32 $0x8F2B, s0  }
0xcc: {  	[sflag:s0] =	ssyncadd.remote.s32 $0x1  }
0xcd: {  	_ =	sfence.sel $0xFFFF  }
0xce: {  	[dreg:$0x0] =	wrdreg $0xFFFFFFFF;
	(pc) =	sbr.abs _section_cstart, $3  }
0xcf: {  	[dreg:$0x1] =	wrdreg $0xFFFFFFFF  }
0xd0: {  	_ =	task.clear_ibuf [dreg:s22], $0x2FFFF;
	_ =	strace $0x9FFFFFFF  }
0xd1: {  	(tm) =	ssettm $0x7FFFFFFF  }
tec
execute0_lowered:
.L_overlay_start_1:
0x0: {  	(tag) =	ssettag $0x1  }
0x1: {  	s2 =	rddreg [dreg:$0x0];
	s0 =	srdreg.scid  }
0x2: {  	s3 =	stileid.u32;
	s1 =	rddreg [dreg:$0x1];
	s16 =	simm.s32 $0x400  }
0x3: {  	s22 =	simm.s32 $0x1;
	s31 =	simm.s32 $0x2;
	s17 =	simm.s32 $0x5400  }
0x4: {  	s18 =	simm.s32 $0x5C00;
	s19 =	simm.s32 $0x6400;
	s20 =	simm.s32 $0x6C00  }
0x5: {  	s21 =	simm.s32 $0x7400;
	s28 =	simm.s32 $0x9C00;
	s29 =	simm.s32 $0xA400  }
0x6: {  	s30 =	simm.s32 $0xAC00;
	s7 =	simm.s32 $0xBC00;
	s8 =	simm.s32 $0xC400  }
0x7: {  	s9 =	simm.s32 $0xCC00;
	s10 =	simm.s32 $0xD400;
	s11 =	simm.s32 $0xDC00  }
0x8: {  	s12 =	simm.s32 $0xE400;
	s13 =	simm.s32 $0xEC00;
	s14 =	simm.s32 $0xF400  }
0x9: {  	s0 =	sand.u32 $0x1, s0;
	s4 =	sshll.u32 s3, $0x1;
	s3 =	simm.s32 $0x0  }
0xa: {  	s15 =	simm.s32 $0xFC00;
	s4 =	sor.u32 s0, s4;
	[smem:$0x7FF] =	sst s3  }
0xb: {  	s0 =	ssub.s32 $0x2, s0;
	s5 =	sshll.u32 s4, $0x7;
	s6 =	smul.u32 $0x28000, s4  }
0xc: {  	_ =	strace $0x8000004A;
	s4 =	smul.u32 $0x5000, s4;
	s5 =	sadd.s32 s5, s1  }
0xd: {  	s1 =	sadd.s32 $0x64600, s1;
	s5 =	sadd.s32 $0x63600, s5;
	s6 =	sshrl.u32 s6, $0x3  }
0xe: {  	s4 =	sadd.s32 s1, s4;
	[dreg:$0x3] =	wrdreg s5;
	s1 =	sadd.s32 s1, s6  }
0xf: {  	s25 =	sshrl.u32 s0, $0x1;
	[dreg:$0x4] =	wrdreg s4;
	s23 =	sadd.s32 $0x1000, s1  }
0x10: {  	s0 =	ssub.s32 s0, s25;
	s24 =	sadd.s32 $0x2000, s1;
	[dreg:$0x5] =	wrdreg s23  }
0x11: {  	s25 =	simm.s32 $0x8C00;
	s26 =	sadd.s32 $0x3000, s1;
	[dreg:$0x6] =	wrdreg s24  }
0x12: {  	v2 =	vlaneseq.u32;
	s4 =	smax.u32 s0, $0x1;
	s1 =	sadd.s32 $0x4000, s1;
	[dreg:$0x7] =	wrdreg s26  }
0x13: {  	vm0 =	vmmov $0xffff;
	v1 =	vshrl.u32 v2, $0x3;
	s0 =	simm.s32 $0x4;
	s6 =	simm.s32 $0x8400;
	[dreg:$0x8] =	wrdreg s1  }
0x14: {  	v0 =	vand.u32 $0x7, v2;
	v2 =	vor.u32 $0x8, v2;
	v1 =	vmul.u32 $0x8, v1;
	s1 =	simm.s32 $0x3;
	s23 =	simm.s32 $0x7C00;
	s26 =	simm.s32 $0x9400  }
.LBB2_1:
0x15: {  	s24 =	rddreg [dreg:$0x3];
	s5 =	simm.s32 $0x5  }
0x16: {  	[tilespmem:s3], [sflag:$0x5] =	stream.linear.gather [hbm4b:s24+s3], $0x280, $0x38;
	[tilespmem:$0x10400] =	vst v63  }
0x17: {  	_ =	swait.ge [sflag:s5], $0x280  }
0x18: {  	[sflag:s5] =	ssyncset.done $0x0  }
0x19: {  	[sflag:s5] =	ssyncadd.s32 $0xFFFFFD80  }
0x1a: {  	v3 =	vld [tilespmem:$0x0];
	_ =	sdelay $0x4  }
0x1b: {  	v4 =	vshll.u32 v3, $0x1  }
0x1c: {  	v3 =	vand.u32 $0x7, v3;
	v4 =	vand.u32 $0xFFFFFFF0, v4  }
0x1d: {  	v3 =	vor.u32 v3, v4  }
0x1e: {  	v4 =	vperm.xlane v3, v0;
	_ =	sdelay $0x1  }
0x1f: {  	v3 =	vperm.xlane v3, v2;
	v4 =	vadd.s32 v1, v4;
	_ =	sdelay $0x1  }
0x20: {  	v3 =	vadd.s32 v1, v3;
	_ =	sdelay $0x2  }
0x21: {  	[tilespmem:s16], [sflag:$0x1] =	stream.indirect_vreg.gather [hbm4b:s2+s3], $0x80, v4, vm0, $0xb8;
	[tilespmem:$0x10400] =	vst v63  }
0x22: {  	s24 =	simm.s32 $0xC00  }
0x23: {  	[tilespmem:s24], [sflag:$0x1] =	stream.indirect_vreg.gather [hbm4b:s2+s3], $0x80, v3, vm0, $0xb8;
	[tilespmem:$0x10400] =	vst v63  }
0x24: {  	v3 =	vld [tilespmem:$0x10];
	_ =	sdelay $0x4  }
0x25: {  	v25 =	vshll.u32 v3, $0x1  }
0x26: {  	v3 =	vand.u32 $0x7, v3;
	v4 =	vand.u32 $0xFFFFFFF0, v25  }
0x27: {  	v3 =	vor.u32 v3, v4  }
0x28: {  	v4 =	vperm.xlane v3, v0;
	_ =	sdelay $0x1  }
0x29: {  	v3 =	vperm.xlane v3, v2;
	v4 =	vadd.s32 v1, v4;
	_ =	sdelay $0x1  }
0x2a: {  	v3 =	vadd.s32 v1, v3;
	_ =	sdelay $0x1  }
0x2b: {  	s24 =	simm.s32 $0x1400  }
0x2c: {  	[tilespmem:s24], [sflag:$0x1] =	stream.indirect_vreg.gather [hbm4b:s2+s3], $0x80, v4, vm0, $0xb8;
	[tilespmem:$0x10400] =	vst v63  }
0x2d: {  	s24 =	simm.s32 $0x1C00  }
0x2e: {  	[tilespmem:s24], [sflag:$0x1] =	stream.indirect_vreg.gather [hbm4b:s2+s3], $0x80, v3, vm0, $0xb8;
	[tilespmem:$0x10400] =	vst v63  }
0x2f: {  	v3 =	vld [tilespmem:$0x20];
	_ =	sdelay $0x4  }
0x30: {  	v26 =	vshll.u32 v3, $0x1  }
0x31: {  	v3 =	vand.u32 $0x7, v3;
	v4 =	vand.u32 $0xFFFFFFF0, v26  }
0x32: {  	v3 =	vor.u32 v3, v4  }
0x33: {  	v4 =	vperm.xlane v3, v0;
	_ =	sdelay $0x1  }
0x34: {  	v3 =	vperm.xlane v3, v2;
	v4 =	vadd.s32 v1, v4;
	_ =	sdelay $0x1  }
0x35: {  	v3 =	vadd.s32 v1, v3;
	_ =	sdelay $0x1  }
0x36: {  	s24 =	simm.s32 $0x2400  }
0x37: {  	[tilespmem:s24], [sflag:$0x1] =	stream.indirect_vreg.gather [hbm4b:s2+s3], $0x80, v4, vm0, $0xb8;
	[tilespmem:$0x10400] =	vst v63  }
0x38: {  	s24 =	simm.s32 $0x2C00  }
0x39: {  	[tilespmem:s24], [sflag:$0x1] =	stream.indirect_vreg.gather [hbm4b:s2+s3], $0x80, v3, vm0, $0xb8;
	[tilespmem:$0x10400] =	vst v63  }
0x3a: {  	v3 =	vld [tilespmem:$0x30];
	_ =	sdelay $0x4  }
0x3b: {  	v27 =	vshll.u32 v3, $0x1  }
0x3c: {  	v3 =	vand.u32 $0x7, v3;
	v4 =	vand.u32 $0xFFFFFFF0, v27  }
0x3d: {  	v3 =	vor.u32 v3, v4  }
0x3e: {  	v4 =	vperm.xlane v3, v0;
	_ =	sdelay $0x1  }
0x3f: {  	v3 =	vperm.xlane v3, v2;
	v4 =	vadd.s32 v1, v4;
	_ =	sdelay $0x1  }
0x40: {  	v3 =	vadd.s32 v1, v3;
	_ =	sdelay $0x1  }
0x41: {  	s24 =	simm.s32 $0x3400  }
0x42: {  	[tilespmem:s24], [sflag:$0x1] =	stream.indirect_vreg.gather [hbm4b:s2+s3], $0x80, v4, vm0, $0xb8;
	[tilespmem:$0x10400] =	vst v63  }
0x43: {  	s24 =	simm.s32 $0x3C00  }
0x44: {  	[tilespmem:s24], [sflag:$0x1] =	stream.indirect_vreg.gather [hbm4b:s2+s3], $0x80, v3, vm0, $0xb8;
	[tilespmem:$0x10400] =	vst v63  }
0x45: {  	v3 =	vld [tilespmem:$0x40];
	_ =	sdelay $0x4  }
0x46: {  	v28 =	vshll.u32 v3, $0x1  }
0x47: {  	v3 =	vand.u32 $0x7, v3;
	v4 =	vand.u32 $0xFFFFFFF0, v28  }
0x48: {  	v3 =	vor.u32 v3, v4  }
0x49: {  	v4 =	vperm.xlane v3, v0;
	_ =	sdelay $0x1  }
0x4a: {  	v3 =	vperm.xlane v3, v2;
	v4 =	vadd.s32 v1, v4;
	_ =	sdelay $0x1  }
0x4b: {  	v3 =	vadd.s32 v1, v3;
	_ =	sdelay $0x1  }
0x4c: {  	s24 =	simm.s32 $0x4400  }
0x4d: {  	[tilespmem:s24], [sflag:$0x1] =	stream.indirect_vreg.gather [hbm4b:s2+s3], $0x80, v4, vm0, $0xb8;
	[tilespmem:$0x10400] =	vst v63  }
0x4e: {  	s24 =	simm.s32 $0x4C00  }
0x4f: {  	[tilespmem:s24], [sflag:$0x1] =	stream.indirect_vreg.gather [hbm4b:s2+s3], $0x80, v3, vm0, $0xb8;
	[tilespmem:$0x10400] =	vst v63  }
0x50: {  	v3 =	vld [tilespmem:$0x50];
	_ =	sdelay $0x4  }
0x51: {  	v29 =	vshll.u32 v3, $0x1  }
0x52: {  	v3 =	vand.u32 $0x7, v3;
	v4 =	vand.u32 $0xFFFFFFF0, v29  }
0x53: {  	v3 =	vor.u32 v3, v4  }
0x54: {  	v4 =	vperm.xlane v3, v0;
	_ =	sdelay $0x1  }
0x55: {  	v3 =	vperm.xlane v3, v2;
	v4 =	vadd.s32 v1, v4;
	_ =	sdelay $0x1  }
0x56: {  	v3 =	vadd.s32 v1, v3;
	_ =	sdelay $0x2  }
0x57: {  	[tilespmem:s17], [sflag:$0x1] =	stream.indirect_vreg.gather [hbm4b:s2+s3], $0x80, v4, vm0, $0xb8;
	[tilespmem:$0x10400] =	vst v63  }
0x58: {  	_ = 	snop  }
0x59: {  	[tilespmem:s18], [sflag:$0x1] =	stream.indirect_vreg.gather [hbm4b:s2+s3], $0x80, v3, vm0, $0xb8;
	[tilespmem:$0x10400] =	vst v63  }
0x5a: {  	v3 =	vld [tilespmem:$0x60];
	_ =	sdelay $0x4  }
0x5b: {  	v30 =	vshll.u32 v3, $0x1  }
0x5c: {  	v3 =	vand.u32 $0x7, v3;
	v4 =	vand.u32 $0xFFFFFFF0, v30  }
0x5d: {  	v3 =	vor.u32 v3, v4  }
0x5e: {  	v4 =	vperm.xlane v3, v0;
	_ =	sdelay $0x1  }
0x5f: {  	v3 =	vperm.xlane v3, v2;
	v4 =	vadd.s32 v1, v4;
	_ =	sdelay $0x1  }
0x60: {  	v3 =	vadd.s32 v1, v3;
	_ =	sdelay $0x2  }
0x61: {  	[tilespmem:s19], [sflag:$0x1] =	stream.indirect_vreg.gather [hbm4b:s2+s3], $0x80, v4, vm0, $0xb8;
	[tilespmem:$0x10400] =	vst v63  }
0x62: {  	_ = 	snop  }
0x63: {  	[tilespmem:s20], [sflag:$0x1] =	stream.indirect_vreg.gather [hbm4b:s2+s3], $0x80, v3, vm0, $0xb8;
	[tilespmem:$0x10400] =	vst v63  }
0x64: {  	v3 =	vld [tilespmem:$0x70];
	_ =	sdelay $0x4  }
0x65: {  	v31 =	vshll.u32 v3, $0x1  }
0x66: {  	v3 =	vand.u32 $0x7, v3;
	v4 =	vand.u32 $0xFFFFFFF0, v31  }
0x67: {  	v3 =	vor.u32 v3, v4  }
0x68: {  	v4 =	vperm.xlane v3, v0;
	_ =	sdelay $0x1  }
0x69: {  	v3 =	vperm.xlane v3, v2;
	v4 =	vadd.s32 v1, v4;
	_ =	sdelay $0x1  }
0x6a: {  	v3 =	vadd.s32 v1, v3;
	_ =	sdelay $0x2  }
0x6b: {  	[tilespmem:s21], [sflag:$0x1] =	stream.indirect_vreg.gather [hbm4b:s2+s3], $0x80, v4, vm0, $0xb8;
	[tilespmem:$0x10400] =	vst v63  }
0x6c: {  	_ = 	snop  }
0x6d: {  	[tilespmem:s23], [sflag:$0x1] =	stream.indirect_vreg.gather [hbm4b:s2+s3], $0x80, v3, vm0, $0xb8;
	[tilespmem:$0x10400] =	vst v63  }
0x6e: {  	_ =	swait.ge [sflag:s22], $0x8000  }
0x6f: {  	[sflag:s22] =	ssyncset.done $0x0  }
0x70: {  	s5 =	rddreg [dreg:$0x4];
	[sflag:s22] =	ssyncadd.s32 $0xFFFF8000  }
0x71: {  	[hbm4b:s5+s3] =	stream.linear.scatter [tilespmem:s16], [sflag:$0x3], $0x8000, $0x38;
	[tilespmem:$0x10400] =	vst v63  }
0x72: {  	v3 =	vld [tilespmem:$0x80];
	_ =	sdelay $0x4  }
0x73: {  	v32 =	vshll.u32 v3, $0x1  }
0x74: {  	v3 =	vand.u32 $0x7, v3;
	v4 =	vand.u32 $0xFFFFFFF0, v32  }
0x75: {  	v3 =	vor.u32 v3, v4  }
0x76: {  	v4 =	vperm.xlane v3, v0;
	_ =	sdelay $0x1  }
0x77: {  	v3 =	vperm.xlane v3, v2;
	v4 =	vadd.s32 v1, v4;
	_ =	sdelay $0x1  }
0x78: {  	v3 =	vadd.s32 v1, v3;
	_ =	sdelay $0x2  }
0x79: {  	[tilespmem:s6], [sflag:$0x2] =	stream.indirect_vreg.gather [hbm4b:s2+s3], $0x80, v4, vm0, $0xb8;
	[tilespmem:$0x10400] =	vst v63  }
0x7a: {  	_ = 	snop  }
0x7b: {  	[tilespmem:s25], [sflag:$0x2] =	stream.indirect_vreg.gather [hbm4b:s2+s3], $0x80, v3, vm0, $0xb8;
	[tilespmem:$0x10400] =	vst v63  }
0x7c: {  	v3 =	vld [tilespmem:$0x90];
	_ =	sdelay $0x4  }
0x7d: {  	v33 =	vshll.u32 v3, $0x1  }
0x7e: {  	v3 =	vand.u32 $0x7, v3;
	v4 =	vand.u32 $0xFFFFFFF0, v33  }
0x7f: {  	v3 =	vor.u32 v3, v4  }
0x80: {  	v4 =	vperm.xlane v3, v0;
	_ =	sdelay $0x1  }
0x81: {  	v3 =	vperm.xlane v3, v2;
	v4 =	vadd.s32 v1, v4;
	_ =	sdelay $0x1  }
0x82: {  	v3 =	vadd.s32 v1, v3;
	_ =	sdelay $0x2  }
0x83: {  	[tilespmem:s26], [sflag:$0x2] =	stream.indirect_vreg.gather [hbm4b:s2+s3], $0x80, v4, vm0, $0xb8;
	[tilespmem:$0x10400] =	vst v63  }
0x84: {  	_ = 	snop  }
0x85: {  	[tilespmem:s28], [sflag:$0x2] =	stream.indirect_vreg.gather [hbm4b:s2+s3], $0x80, v3, vm0, $0xb8;
	[tilespmem:$0x10400] =	vst v63  }
0x86: {  	v3 =	vld [tilespmem:$0xA0];
	_ =	sdelay $0x4  }
0x87: {  	v34 =	vshll.u32 v3, $0x1  }
0x88: {  	v3 =	vand.u32 $0x7, v3;
	v4 =	vand.u32 $0xFFFFFFF0, v34  }
0x89: {  	v3 =	vor.u32 v3, v4  }
0x8a: {  	v4 =	vperm.xlane v3, v0;
	_ =	sdelay $0x1  }
0x8b: {  	v3 =	vperm.xlane v3, v2;
	v4 =	vadd.s32 v1, v4;
	_ =	sdelay $0x1  }
0x8c: {  	v3 =	vadd.s32 v1, v3;
	_ =	sdelay $0x2  }
0x8d: {  	[tilespmem:s29], [sflag:$0x2] =	stream.indirect_vreg.gather [hbm4b:s2+s3], $0x80, v4, vm0, $0xb8;
	[tilespmem:$0x10400] =	vst v63  }
0x8e: {  	_ = 	snop  }
0x8f: {  	[tilespmem:s30], [sflag:$0x2] =	stream.indirect_vreg.gather [hbm4b:s2+s3], $0x80, v3, vm0, $0xb8;
	[tilespmem:$0x10400] =	vst v63  }
0x90: {  	v3 =	vld [tilespmem:$0xB0];
	_ =	sdelay $0x4  }
0x91: {  	v35 =	vshll.u32 v3, $0x1  }
0x92: {  	v3 =	vand.u32 $0x7, v3;
	v4 =	vand.u32 $0xFFFFFFF0, v35  }
0x93: {  	v3 =	vor.u32 v3, v4  }
0x94: {  	v4 =	vperm.xlane v3, v0;
	_ =	sdelay $0x1  }
0x95: {  	v3 =	vperm.xlane v3, v2;
	v4 =	vadd.s32 v1, v4;
	_ =	sdelay $0x1  }
0x96: {  	v3 =	vadd.s32 v1, v3;
	_ =	sdelay $0x1  }
0x97: {  	s5 =	simm.s32 $0xB400  }
0x98: {  	[tilespmem:s5], [sflag:$0x2] =	stream.indirect_vreg.gather [hbm4b:s2+s3], $0x80, v4, vm0, $0xb8;
	[tilespmem:$0x10400] =	vst v63  }
0x99: {  	_ = 	snop  }
0x9a: {  	[tilespmem:s7], [sflag:$0x2] =	stream.indirect_vreg.gather [hbm4b:s2+s3], $0x80, v3, vm0, $0xb8;
	[tilespmem:$0x10400] =	vst v63  }
0x9b: {  	v3 =	vld [tilespmem:$0xC0];
	_ =	sdelay $0x4  }
0x9c: {  	v36 =	vshll.u32 v3, $0x1  }
0x9d: {  	v3 =	vand.u32 $0x7, v3;
	v4 =	vand.u32 $0xFFFFFFF0, v36  }
0x9e: {  	v3 =	vor.u32 v3, v4  }
0x9f: {  	v4 =	vperm.xlane v3, v0;
	_ =	sdelay $0x1  }
0xa0: {  	v3 =	vperm.xlane v3, v2;
	v4 =	vadd.s32 v1, v4;
	_ =	sdelay $0x1  }
0xa1: {  	v3 =	vadd.s32 v1, v3;
	_ =	sdelay $0x2  }
0xa2: {  	[tilespmem:s8], [sflag:$0x2] =	stream.indirect_vreg.gather [hbm4b:s2+s3], $0x80, v4, vm0, $0xb8;
	[tilespmem:$0x10400] =	vst v63  }
0xa3: {  	_ = 	snop  }
0xa4: {  	[tilespmem:s9], [sflag:$0x2] =	stream.indirect_vreg.gather [hbm4b:s2+s3], $0x80, v3, vm0, $0xb8;
	[tilespmem:$0x10400] =	vst v63  }
0xa5: {  	v3 =	vld [tilespmem:$0xD0];
	_ =	sdelay $0x4  }
0xa6: {  	v37 =	vshll.u32 v3, $0x1  }
0xa7: {  	v3 =	vand.u32 $0x7, v3;
	v4 =	vand.u32 $0xFFFFFFF0, v37  }
0xa8: {  	v3 =	vor.u32 v3, v4  }
0xa9: {  	v4 =	vperm.xlane v3, v0;
	_ =	sdelay $0x1  }
0xaa: {  	v3 =	vperm.xlane v3, v2;
	v4 =	vadd.s32 v1, v4;
	_ =	sdelay $0x1  }
0xab: {  	v3 =	vadd.s32 v1, v3;
	_ =	sdelay $0x2  }
0xac: {  	[tilespmem:s10], [sflag:$0x2] =	stream.indirect_vreg.gather [hbm4b:s2+s3], $0x80, v4, vm0, $0xb8;
	[tilespmem:$0x10400] =	vst v63  }
0xad: {  	_ = 	snop  }
0xae: {  	[tilespmem:s11], [sflag:$0x2] =	stream.indirect_vreg.gather [hbm4b:s2+s3], $0x80, v3, vm0, $0xb8;
	[tilespmem:$0x10400] =	vst v63  }
0xaf: {  	v3 =	vld [tilespmem:$0xE0];
	_ =	sdelay $0x4  }
0xb0: {  	v38 =	vshll.u32 v3, $0x1  }
0xb1: {  	v3 =	vand.u32 $0x7, v3;
	v4 =	vand.u32 $0xFFFFFFF0, v38  }
0xb2: {  	v3 =	vor.u32 v3, v4  }
0xb3: {  	v4 =	vperm.xlane v3, v0;
	_ =	sdelay $0x1  }
0xb4: {  	v3 =	vperm.xlane v3, v2;
	v4 =	vadd.s32 v1, v4;
	_ =	sdelay $0x1  }
0xb5: {  	v3 =	vadd.s32 v1, v3;
	_ =	sdelay $0x2  }
0xb6: {  	[tilespmem:s12], [sflag:$0x2] =	stream.indirect_vreg.gather [hbm4b:s2+s3], $0x80, v4, vm0, $0xb8;
	[tilespmem:$0x10400] =	vst v63  }
0xb7: {  	_ = 	snop  }
0xb8: {  	[tilespmem:s13], [sflag:$0x2] =	stream.indirect_vreg.gather [hbm4b:s2+s3], $0x80, v3, vm0, $0xb8;
	[tilespmem:$0x10400] =	vst v63  }
0xb9: {  	v3 =	vld [tilespmem:$0xF0];
	_ =	sdelay $0x4  }
0xba: {  	v39 =	vshll.u32 v3, $0x1  }
0xbb: {  	v3 =	vand.u32 $0x7, v3;
	v4 =	vand.u32 $0xFFFFFFF0, v39  }
0xbc: {  	v3 =	vor.u32 v3, v4  }
0xbd: {  	v4 =	vperm.xlane v3, v0;
	_ =	sdelay $0x1  }
0xbe: {  	v3 =	vperm.xlane v3, v2;
	v4 =	vadd.s32 v1, v4;
	_ =	sdelay $0x1  }
0xbf: {  	v3 =	vadd.s32 v1, v3;
	_ =	sdelay $0x2  }
0xc0: {  	[tilespmem:s14], [sflag:$0x2] =	stream.indirect_vreg.gather [hbm4b:s2+s3], $0x80, v4, vm0, $0xb8;
	[tilespmem:$0x10400] =	vst v63  }
0xc1: {  	_ = 	snop  }
0xc2: {  	[tilespmem:s15], [sflag:$0x2] =	stream.indirect_vreg.gather [hbm4b:s2+s3], $0x80, v3, vm0, $0xb8;
	[tilespmem:$0x10400] =	vst v63  }
0xc3: {  	_ =	swait.ge [sflag:s31], $0x8000  }
0xc4: {  	[sflag:s31] =	ssyncset.done $0x0  }
0xc5: {  	s24 =	rddreg [dreg:$0x5];
	[sflag:s31] =	ssyncadd.s32 $0xFFFF8000  }
0xc6: {  	[hbm4b:s24+s3] =	stream.linear.scatter [tilespmem:s6], [sflag:$0x4], $0x8000, $0x38;
	[tilespmem:$0x10400] =	vst v63  }
0xc7: {  	_ =	swait.ge [sflag:s1], $0x8000  }
0xc8: {  	[sflag:s1] =	ssyncset.done $0x0  }
0xc9: {  	[sflag:s1] =	ssyncadd.s32 $0xFFFF8000  }
0xca: {  	v3 =	vld [tilespmem:$0x100];
	_ =	sdelay $0x4  }
0xcb: {  	v40 =	vshll.u32 v3, $0x1  }
0xcc: {  	v3 =	vand.u32 $0x7, v3;
	v4 =	vand.u32 $0xFFFFFFF0, v40  }
0xcd: {  	v3 =	vor.u32 v3, v4  }
0xce: {  	v4 =	vperm.xlane v3, v0;
	_ =	sdelay $0x1  }
0xcf: {  	v3 =	vperm.xlane v3, v2;
	v4 =	vadd.s32 v1, v4;
	_ =	sdelay $0x1  }
0xd0: {  	v3 =	vadd.s32 v1, v3;
	_ =	sdelay $0x2  }
0xd1: {  	[tilespmem:s16], [sflag:$0x1] =	stream.indirect_vreg.gather [hbm4b:s2+s3], $0x80, v4, vm0, $0xb8;
	[tilespmem:$0x10400] =	vst v63  }
0xd2: {  	s24 =	simm.s32 $0xC00  }
0xd3: {  	[tilespmem:s24], [sflag:$0x1] =	stream.indirect_vreg.gather [hbm4b:s2+s3], $0x80, v3, vm0, $0xb8;
	[tilespmem:$0x10400] =	vst v63  }
0xd4: {  	v3 =	vld [tilespmem:$0x110];
	_ =	sdelay $0x4  }
0xd5: {  	v41 =	vshll.u32 v3, $0x1  }
0xd6: {  	v3 =	vand.u32 $0x7, v3;
	v4 =	vand.u32 $0xFFFFFFF0, v41  }
0xd7: {  	v3 =	vor.u32 v3, v4  }
0xd8: {  	v4 =	vperm.xlane v3, v0;
	_ =	sdelay $0x1  }
0xd9: {  	v3 =	vperm.xlane v3, v2;
	v4 =	vadd.s32 v1, v4;
	_ =	sdelay $0x1  }
0xda: {  	v3 =	vadd.s32 v1, v3;
	_ =	sdelay $0x1  }
0xdb: {  	s24 =	simm.s32 $0x1400  }
0xdc: {  	[tilespmem:s24], [sflag:$0x1] =	stream.indirect_vreg.gather [hbm4b:s2+s3], $0x80, v4, vm0, $0xb8;
	[tilespmem:$0x10400] =	vst v63  }
0xdd: {  	s24 =	simm.s32 $0x1C00  }
0xde: {  	[tilespmem:s24], [sflag:$0x1] =	stream.indirect_vreg.gather [hbm4b:s2+s3], $0x80, v3, vm0, $0xb8;
	[tilespmem:$0x10400] =	vst v63  }
0xdf: {  	v3 =	vld [tilespmem:$0x120];
	_ =	sdelay $0x4  }
0xe0: {  	v42 =	vshll.u32 v3, $0x1  }
0xe1: {  	v3 =	vand.u32 $0x7, v3;
	v4 =	vand.u32 $0xFFFFFFF0, v42  }
0xe2: {  	v3 =	vor.u32 v3, v4  }
0xe3: {  	v4 =	vperm.xlane v3, v0;
	_ =	sdelay $0x1  }
0xe4: {  	v3 =	vperm.xlane v3, v2;
	v4 =	vadd.s32 v1, v4;
	_ =	sdelay $0x1  }
0xe5: {  	v3 =	vadd.s32 v1, v3;
	_ =	sdelay $0x1  }
0xe6: {  	s24 =	simm.s32 $0x2400  }
0xe7: {  	[tilespmem:s24], [sflag:$0x1] =	stream.indirect_vreg.gather [hbm4b:s2+s3], $0x80, v4, vm0, $0xb8;
	[tilespmem:$0x10400] =	vst v63  }
0xe8: {  	s24 =	simm.s32 $0x2C00  }
0xe9: {  	[tilespmem:s24], [sflag:$0x1] =	stream.indirect_vreg.gather [hbm4b:s2+s3], $0x80, v3, vm0, $0xb8;
	[tilespmem:$0x10400] =	vst v63  }
0xea: {  	v3 =	vld [tilespmem:$0x130];
	_ =	sdelay $0x4  }
0xeb: {  	v43 =	vshll.u32 v3, $0x1  }
0xec: {  	v3 =	vand.u32 $0x7, v3;
	v4 =	vand.u32 $0xFFFFFFF0, v43  }
0xed: {  	v3 =	vor.u32 v3, v4  }
0xee: {  	v4 =	vperm.xlane v3, v0;
	_ =	sdelay $0x1  }
0xef: {  	v3 =	vperm.xlane v3, v2;
	v4 =	vadd.s32 v1, v4;
	_ =	sdelay $0x1  }
0xf0: {  	v3 =	vadd.s32 v1, v3;
	_ =	sdelay $0x1  }
0xf1: {  	s24 =	simm.s32 $0x3400  }
0xf2: {  	[tilespmem:s24], [sflag:$0x1] =	stream.indirect_vreg.gather [hbm4b:s2+s3], $0x80, v4, vm0, $0xb8;
	[tilespmem:$0x10400] =	vst v63  }
0xf3: {  	s24 =	simm.s32 $0x3C00  }
0xf4: {  	[tilespmem:s24], [sflag:$0x1] =	stream.indirect_vreg.gather [hbm4b:s2+s3], $0x80, v3, vm0, $0xb8;
	[tilespmem:$0x10400] =	vst v63  }
0xf5: {  	v3 =	vld [tilespmem:$0x140];
	_ =	sdelay $0x4  }
0xf6: {  	v44 =	vshll.u32 v3, $0x1  }
0xf7: {  	v3 =	vand.u32 $0x7, v3;
	v4 =	vand.u32 $0xFFFFFFF0, v44  }
0xf8: {  	v3 =	vor.u32 v3, v4  }
0xf9: {  	v4 =	vperm.xlane v3, v0;
	_ =	sdelay $0x1  }
0xfa: {  	v3 =	vperm.xlane v3, v2;
	v4 =	vadd.s32 v1, v4;
	_ =	sdelay $0x1  }
0xfb: {  	v3 =	vadd.s32 v1, v3;
	_ =	sdelay $0x1  }
0xfc: {  	s24 =	simm.s32 $0x4400  }
0xfd: {  	[tilespmem:s24], [sflag:$0x1] =	stream.indirect_vreg.gather [hbm4b:s2+s3], $0x80, v4, vm0, $0xb8;
	[tilespmem:$0x10400] =	vst v63  }
0xfe: {  	s24 =	simm.s32 $0x4C00  }
0xff: {  	[tilespmem:s24], [sflag:$0x1] =	stream.indirect_vreg.gather [hbm4b:s2+s3], $0x80, v3, vm0, $0xb8;
	[tilespmem:$0x10400] =	vst v63  }
0x100: {  	v3 =	vld [tilespmem:$0x150];
	_ =	sdelay $0x4  }
0x101: {  	v45 =	vshll.u32 v3, $0x1  }
0x102: {  	v3 =	vand.u32 $0x7, v3;
	v4 =	vand.u32 $0xFFFFFFF0, v45  }
0x103: {  	v3 =	vor.u32 v3, v4  }
0x104: {  	v4 =	vperm.xlane v3, v0;
	_ =	sdelay $0x1  }
0x105: {  	v3 =	vperm.xlane v3, v2;
	v4 =	vadd.s32 v1, v4;
	_ =	sdelay $0x1  }
0x106: {  	v3 =	vadd.s32 v1, v3;
	_ =	sdelay $0x2  }
0x107: {  	[tilespmem:s17], [sflag:$0x1] =	stream.indirect_vreg.gather [hbm4b:s2+s3], $0x80, v4, vm0, $0xb8;
	[tilespmem:$0x10400] =	vst v63  }
0x108: {  	_ = 	snop  }
0x109: {  	[tilespmem:s18], [sflag:$0x1] =	stream.indirect_vreg.gather [hbm4b:s2+s3], $0x80, v3, vm0, $0xb8;
	[tilespmem:$0x10400] =	vst v63  }
0x10a: {  	v3 =	vld [tilespmem:$0x160];
	_ =	sdelay $0x4  }
0x10b: {  	v46 =	vshll.u32 v3, $0x1  }
0x10c: {  	v3 =	vand.u32 $0x7, v3;
	v4 =	vand.u32 $0xFFFFFFF0, v46  }
0x10d: {  	v3 =	vor.u32 v3, v4  }
0x10e: {  	v4 =	vperm.xlane v3, v0;
	_ =	sdelay $0x1  }
0x10f: {  	v3 =	vperm.xlane v3, v2;
	v4 =	vadd.s32 v1, v4;
	_ =	sdelay $0x1  }
0x110: {  	v3 =	vadd.s32 v1, v3;
	_ =	sdelay $0x2  }
0x111: {  	[tilespmem:s19], [sflag:$0x1] =	stream.indirect_vreg.gather [hbm4b:s2+s3], $0x80, v4, vm0, $0xb8;
	[tilespmem:$0x10400] =	vst v63  }
0x112: {  	_ = 	snop  }
0x113: {  	[tilespmem:s20], [sflag:$0x1] =	stream.indirect_vreg.gather [hbm4b:s2+s3], $0x80, v3, vm0, $0xb8;
	[tilespmem:$0x10400] =	vst v63  }
0x114: {  	v3 =	vld [tilespmem:$0x170];
	_ =	sdelay $0x4  }
0x115: {  	v47 =	vshll.u32 v3, $0x1  }
0x116: {  	v3 =	vand.u32 $0x7, v3;
	v4 =	vand.u32 $0xFFFFFFF0, v47  }
0x117: {  	v3 =	vor.u32 v3, v4  }
0x118: {  	v4 =	vperm.xlane v3, v0;
	_ =	sdelay $0x1  }
0x119: {  	v3 =	vperm.xlane v3, v2;
	v4 =	vadd.s32 v1, v4;
	_ =	sdelay $0x1  }
0x11a: {  	v3 =	vadd.s32 v1, v3;
	_ =	sdelay $0x2  }
0x11b: {  	[tilespmem:s21], [sflag:$0x1] =	stream.indirect_vreg.gather [hbm4b:s2+s3], $0x80, v4, vm0, $0xb8;
	[tilespmem:$0x10400] =	vst v63  }
0x11c: {  	_ = 	snop  }
0x11d: {  	[tilespmem:s23], [sflag:$0x1] =	stream.indirect_vreg.gather [hbm4b:s2+s3], $0x80, v3, vm0, $0xb8;
	[tilespmem:$0x10400] =	vst v63  }
0x11e: {  	_ =	swait.ge [sflag:s22], $0x8000  }
0x11f: {  	[sflag:s22] =	ssyncset.done $0x0  }
0x120: {  	s24 =	rddreg [dreg:$0x6];
	[sflag:s22] =	ssyncadd.s32 $0xFFFF8000  }
0x121: {  	[hbm4b:s24+s3] =	stream.linear.scatter [tilespmem:s16], [sflag:$0x3], $0x8000, $0x38;
	[tilespmem:$0x10400] =	vst v63  }
0x122: {  	_ =	swait.ge [sflag:s0], $0x8000  }
0x123: {  	[sflag:s0] =	ssyncset.done $0x0  }
0x124: {  	[sflag:s0] =	ssyncadd.s32 $0xFFFF8000  }
0x125: {  	v3 =	vld [tilespmem:$0x180];
	_ =	sdelay $0x4  }
0x126: {  	v48 =	vshll.u32 v3, $0x1  }
0x127: {  	v3 =	vand.u32 $0x7, v3;
	v4 =	vand.u32 $0xFFFFFFF0, v48  }
0x128: {  	v3 =	vor.u32 v3, v4  }
0x129: {  	v4 =	vperm.xlane v3, v0;
	_ =	sdelay $0x1  }
0x12a: {  	v3 =	vperm.xlane v3, v2;
	v4 =	vadd.s32 v1, v4;
	_ =	sdelay $0x1  }
0x12b: {  	v3 =	vadd.s32 v1, v3;
	_ =	sdelay $0x2  }
0x12c: {  	[tilespmem:s6], [sflag:$0x2] =	stream.indirect_vreg.gather [hbm4b:s2+s3], $0x80, v4, vm0, $0xb8;
	[tilespmem:$0x10400] =	vst v63  }
0x12d: {  	_ = 	snop  }
0x12e: {  	[tilespmem:s25], [sflag:$0x2] =	stream.indirect_vreg.gather [hbm4b:s2+s3], $0x80, v3, vm0, $0xb8;
	[tilespmem:$0x10400] =	vst v63  }
0x12f: {  	v3 =	vld [tilespmem:$0x190];
	_ =	sdelay $0x4  }
0x130: {  	v49 =	vshll.u32 v3, $0x1  }
0x131: {  	v3 =	vand.u32 $0x7, v3;
	v4 =	vand.u32 $0xFFFFFFF0, v49  }
0x132: {  	v3 =	vor.u32 v3, v4  }
0x133: {  	v4 =	vperm.xlane v3, v0;
	_ =	sdelay $0x1  }
0x134: {  	v3 =	vperm.xlane v3, v2;
	v4 =	vadd.s32 v1, v4;
	_ =	sdelay $0x1  }
0x135: {  	v3 =	vadd.s32 v1, v3;
	_ =	sdelay $0x2  }
0x136: {  	[tilespmem:s26], [sflag:$0x2] =	stream.indirect_vreg.gather [hbm4b:s2+s3], $0x80, v4, vm0, $0xb8;
	[tilespmem:$0x10400] =	vst v63  }
0x137: {  	_ = 	snop  }
0x138: {  	[tilespmem:s28], [sflag:$0x2] =	stream.indirect_vreg.gather [hbm4b:s2+s3], $0x80, v3, vm0, $0xb8;
	[tilespmem:$0x10400] =	vst v63  }
0x139: {  	v3 =	vld [tilespmem:$0x1A0];
	_ =	sdelay $0x4  }
0x13a: {  	v50 =	vshll.u32 v3, $0x1  }
0x13b: {  	v3 =	vand.u32 $0x7, v3;
	v4 =	vand.u32 $0xFFFFFFF0, v50  }
0x13c: {  	v3 =	vor.u32 v3, v4  }
0x13d: {  	v4 =	vperm.xlane v3, v0;
	_ =	sdelay $0x1  }
0x13e: {  	v3 =	vperm.xlane v3, v2;
	v4 =	vadd.s32 v1, v4;
	_ =	sdelay $0x1  }
0x13f: {  	v3 =	vadd.s32 v1, v3;
	_ =	sdelay $0x2  }
0x140: {  	[tilespmem:s29], [sflag:$0x2] =	stream.indirect_vreg.gather [hbm4b:s2+s3], $0x80, v4, vm0, $0xb8;
	[tilespmem:$0x10400] =	vst v63  }
0x141: {  	_ = 	snop  }
0x142: {  	[tilespmem:s30], [sflag:$0x2] =	stream.indirect_vreg.gather [hbm4b:s2+s3], $0x80, v3, vm0, $0xb8;
	[tilespmem:$0x10400] =	vst v63  }
0x143: {  	v3 =	vld [tilespmem:$0x1B0];
	_ =	sdelay $0x4  }
0x144: {  	v51 =	vshll.u32 v3, $0x1  }
0x145: {  	v3 =	vand.u32 $0x7, v3;
	v4 =	vand.u32 $0xFFFFFFF0, v51  }
0x146: {  	v3 =	vor.u32 v3, v4  }
0x147: {  	v4 =	vperm.xlane v3, v0;
	_ =	sdelay $0x1  }
0x148: {  	v3 =	vperm.xlane v3, v2;
	v4 =	vadd.s32 v1, v4;
	_ =	sdelay $0x1  }
0x149: {  	v3 =	vadd.s32 v1, v3;
	_ =	sdelay $0x2  }
0x14a: {  	[tilespmem:s5], [sflag:$0x2] =	stream.indirect_vreg.gather [hbm4b:s2+s3], $0x80, v4, vm0, $0xb8;
	[tilespmem:$0x10400] =	vst v63  }
0x14b: {  	_ = 	snop  }
0x14c: {  	[tilespmem:s7], [sflag:$0x2] =	stream.indirect_vreg.gather [hbm4b:s2+s3], $0x80, v3, vm0, $0xb8;
	[tilespmem:$0x10400] =	vst v63  }
0x14d: {  	v3 =	vld [tilespmem:$0x1C0];
	_ =	sdelay $0x4  }
0x14e: {  	v52 =	vshll.u32 v3, $0x1  }
0x14f: {  	v3 =	vand.u32 $0x7, v3;
	v4 =	vand.u32 $0xFFFFFFF0, v52  }
0x150: {  	v3 =	vor.u32 v3, v4  }
0x151: {  	v4 =	vperm.xlane v3, v0;
	_ =	sdelay $0x1  }
0x152: {  	v3 =	vperm.xlane v3, v2;
	v4 =	vadd.s32 v1, v4;
	_ =	sdelay $0x1  }
0x153: {  	v3 =	vadd.s32 v1, v3;
	_ =	sdelay $0x2  }
0x154: {  	[tilespmem:s8], [sflag:$0x2] =	stream.indirect_vreg.gather [hbm4b:s2+s3], $0x80, v4, vm0, $0xb8;
	[tilespmem:$0x10400] =	vst v63  }
0x155: {  	_ = 	snop  }
0x156: {  	[tilespmem:s9], [sflag:$0x2] =	stream.indirect_vreg.gather [hbm4b:s2+s3], $0x80, v3, vm0, $0xb8;
	[tilespmem:$0x10400] =	vst v63  }
0x157: {  	v3 =	vld [tilespmem:$0x1D0];
	_ =	sdelay $0x4  }
0x158: {  	v53 =	vshll.u32 v3, $0x1  }
0x159: {  	v3 =	vand.u32 $0x7, v3;
	v4 =	vand.u32 $0xFFFFFFF0, v53  }
0x15a: {  	v3 =	vor.u32 v3, v4  }
0x15b: {  	v4 =	vperm.xlane v3, v0;
	_ =	sdelay $0x1  }
0x15c: {  	v3 =	vperm.xlane v3, v2;
	v4 =	vadd.s32 v1, v4;
	_ =	sdelay $0x1  }
0x15d: {  	v3 =	vadd.s32 v1, v3;
	_ =	sdelay $0x2  }
0x15e: {  	[tilespmem:s10], [sflag:$0x2] =	stream.indirect_vreg.gather [hbm4b:s2+s3], $0x80, v4, vm0, $0xb8;
	[tilespmem:$0x10400] =	vst v63  }
0x15f: {  	_ = 	snop  }
0x160: {  	[tilespmem:s11], [sflag:$0x2] =	stream.indirect_vreg.gather [hbm4b:s2+s3], $0x80, v3, vm0, $0xb8;
	[tilespmem:$0x10400] =	vst v63  }
0x161: {  	v3 =	vld [tilespmem:$0x1E0];
	_ =	sdelay $0x4  }
0x162: {  	v54 =	vshll.u32 v3, $0x1  }
0x163: {  	v3 =	vand.u32 $0x7, v3;
	v4 =	vand.u32 $0xFFFFFFF0, v54  }
0x164: {  	v3 =	vor.u32 v3, v4  }
0x165: {  	v4 =	vperm.xlane v3, v0;
	_ =	sdelay $0x1  }
0x166: {  	v3 =	vperm.xlane v3, v2;
	v4 =	vadd.s32 v1, v4;
	_ =	sdelay $0x1  }
0x167: {  	v3 =	vadd.s32 v1, v3;
	_ =	sdelay $0x2  }
0x168: {  	[tilespmem:s12], [sflag:$0x2] =	stream.indirect_vreg.gather [hbm4b:s2+s3], $0x80, v4, vm0, $0xb8;
	[tilespmem:$0x10400] =	vst v63  }
0x169: {  	_ = 	snop  }
0x16a: {  	[tilespmem:s13], [sflag:$0x2] =	stream.indirect_vreg.gather [hbm4b:s2+s3], $0x80, v3, vm0, $0xb8;
	[tilespmem:$0x10400] =	vst v63  }
0x16b: {  	v3 =	vld [tilespmem:$0x1F0];
	_ =	sdelay $0x4  }
0x16c: {  	v55 =	vshll.u32 v3, $0x1  }
0x16d: {  	v3 =	vand.u32 $0x7, v3;
	v4 =	vand.u32 $0xFFFFFFF0, v55  }
0x16e: {  	v3 =	vor.u32 v3, v4  }
0x16f: {  	v4 =	vperm.xlane v3, v0;
	_ =	sdelay $0x1  }
0x170: {  	v3 =	vperm.xlane v3, v2;
	v4 =	vadd.s32 v1, v4;
	_ =	sdelay $0x1  }
0x171: {  	v3 =	vadd.s32 v1, v3;
	_ =	sdelay $0x2  }
0x172: {  	[tilespmem:s14], [sflag:$0x2] =	stream.indirect_vreg.gather [hbm4b:s2+s3], $0x80, v4, vm0, $0xb8;
	[tilespmem:$0x10400] =	vst v63  }
0x173: {  	_ = 	snop  }
0x174: {  	[tilespmem:s15], [sflag:$0x2] =	stream.indirect_vreg.gather [hbm4b:s2+s3], $0x80, v3, vm0, $0xb8;
	[tilespmem:$0x10400] =	vst v63  }
0x175: {  	_ =	swait.ge [sflag:s31], $0x8000  }
0x176: {  	[sflag:s31] =	ssyncset.done $0x0  }
0x177: {  	s5 =	rddreg [dreg:$0x7];
	[sflag:s31] =	ssyncadd.s32 $0xFFFF8000  }
0x178: {  	[hbm4b:s5+s3] =	stream.linear.scatter [tilespmem:s6], [sflag:$0x4], $0x8000, $0x38;
	[tilespmem:$0x10400] =	vst v63  }
0x179: {  	_ =	swait.ge [sflag:s1], $0x8000  }
0x17a: {  	[sflag:s1] =	ssyncset.done $0x0  }
0x17b: {  	[sflag:s1] =	ssyncadd.s32 $0xFFFF8000  }
0x17c: {  	v3 =	vld [tilespmem:$0x200];
	_ =	sdelay $0x4  }
0x17d: {  	v56 =	vshll.u32 v3, $0x1  }
0x17e: {  	v3 =	vand.u32 $0x7, v3;
	v4 =	vand.u32 $0xFFFFFFF0, v56  }
0x17f: {  	v3 =	vor.u32 v3, v4  }
0x180: {  	v4 =	vperm.xlane v3, v0;
	_ =	sdelay $0x1  }
0x181: {  	v3 =	vperm.xlane v3, v2;
	v4 =	vadd.s32 v1, v4;
	_ =	sdelay $0x1  }
0x182: {  	v3 =	vadd.s32 v1, v3;
	_ =	sdelay $0x2  }
0x183: {  	[tilespmem:s16], [sflag:$0x1] =	stream.indirect_vreg.gather [hbm4b:s2+s3], $0x80, v4, vm0, $0xb8;
	[tilespmem:$0x10400] =	vst v63  }
0x184: {  	s24 =	simm.s32 $0xC00  }
0x185: {  	[tilespmem:s24], [sflag:$0x1] =	stream.indirect_vreg.gather [hbm4b:s2+s3], $0x80, v3, vm0, $0xb8;
	[tilespmem:$0x10400] =	vst v63  }
0x186: {  	v3 =	vld [tilespmem:$0x210];
	_ =	sdelay $0x4  }
0x187: {  	v57 =	vshll.u32 v3, $0x1  }
0x188: {  	v3 =	vand.u32 $0x7, v3;
	v4 =	vand.u32 $0xFFFFFFF0, v57  }
0x189: {  	v3 =	vor.u32 v3, v4  }
0x18a: {  	v4 =	vperm.xlane v3, v0;
	_ =	sdelay $0x1  }
0x18b: {  	v3 =	vperm.xlane v3, v2;
	v4 =	vadd.s32 v1, v4;
	_ =	sdelay $0x1  }
0x18c: {  	v3 =	vadd.s32 v1, v3;
	_ =	sdelay $0x1  }
0x18d: {  	s24 =	simm.s32 $0x1400  }
0x18e: {  	[tilespmem:s24], [sflag:$0x1] =	stream.indirect_vreg.gather [hbm4b:s2+s3], $0x80, v4, vm0, $0xb8;
	[tilespmem:$0x10400] =	vst v63  }
0x18f: {  	s24 =	simm.s32 $0x1C00  }
0x190: {  	[tilespmem:s24], [sflag:$0x1] =	stream.indirect_vreg.gather [hbm4b:s2+s3], $0x80, v3, vm0, $0xb8;
	[tilespmem:$0x10400] =	vst v63  }
0x191: {  	v3 =	vld [tilespmem:$0x220];
	_ =	sdelay $0x4  }
0x192: {  	v58 =	vshll.u32 v3, $0x1  }
0x193: {  	v3 =	vand.u32 $0x7, v3;
	v4 =	vand.u32 $0xFFFFFFF0, v58  }
0x194: {  	v3 =	vor.u32 v3, v4  }
0x195: {  	v4 =	vperm.xlane v3, v0;
	_ =	sdelay $0x1  }
0x196: {  	v3 =	vperm.xlane v3, v2;
	v4 =	vadd.s32 v1, v4;
	_ =	sdelay $0x1  }
0x197: {  	v3 =	vadd.s32 v1, v3;
	_ =	sdelay $0x1  }
0x198: {  	s24 =	simm.s32 $0x2400  }
0x199: {  	[tilespmem:s24], [sflag:$0x1] =	stream.indirect_vreg.gather [hbm4b:s2+s3], $0x80, v4, vm0, $0xb8;
	[tilespmem:$0x10400] =	vst v63  }
0x19a: {  	s24 =	simm.s32 $0x2C00  }
0x19b: {  	[tilespmem:s24], [sflag:$0x1] =	stream.indirect_vreg.gather [hbm4b:s2+s3], $0x80, v3, vm0, $0xb8;
	[tilespmem:$0x10400] =	vst v63  }
0x19c: {  	v3 =	vld [tilespmem:$0x230];
	_ =	sdelay $0x4  }
0x19d: {  	v59 =	vshll.u32 v3, $0x1  }
0x19e: {  	v3 =	vand.u32 $0x7, v3;
	v4 =	vand.u32 $0xFFFFFFF0, v59  }
0x19f: {  	v3 =	vor.u32 v3, v4  }
0x1a0: {  	v4 =	vperm.xlane v3, v0;
	_ =	sdelay $0x1  }
0x1a1: {  	v3 =	vperm.xlane v3, v2;
	v4 =	vadd.s32 v1, v4;
	_ =	sdelay $0x1  }
0x1a2: {  	v3 =	vadd.s32 v1, v3;
	_ =	sdelay $0x1  }
0x1a3: {  	s24 =	simm.s32 $0x3400  }
0x1a4: {  	[tilespmem:s24], [sflag:$0x1] =	stream.indirect_vreg.gather [hbm4b:s2+s3], $0x80, v4, vm0, $0xb8;
	[tilespmem:$0x10400] =	vst v63  }
0x1a5: {  	s24 =	simm.s32 $0x3C00  }
0x1a6: {  	[tilespmem:s24], [sflag:$0x1] =	stream.indirect_vreg.gather [hbm4b:s2+s3], $0x80, v3, vm0, $0xb8;
	[tilespmem:$0x10400] =	vst v63  }
0x1a7: {  	v3 =	vld [tilespmem:$0x240];
	_ =	sdelay $0x4  }
0x1a8: {  	v60 =	vshll.u32 v3, $0x1  }
0x1a9: {  	v3 =	vand.u32 $0x7, v3;
	v4 =	vand.u32 $0xFFFFFFF0, v60  }
0x1aa: {  	v3 =	vor.u32 v3, v4  }
0x1ab: {  	v4 =	vperm.xlane v3, v0;
	_ =	sdelay $0x1  }
0x1ac: {  	v3 =	vperm.xlane v3, v2;
	v4 =	vadd.s32 v1, v4;
	_ =	sdelay $0x1  }
0x1ad: {  	v3 =	vadd.s32 v1, v3;
	_ =	sdelay $0x1  }
0x1ae: {  	s24 =	simm.s32 $0x4400  }
0x1af: {  	[tilespmem:s24], [sflag:$0x1] =	stream.indirect_vreg.gather [hbm4b:s2+s3], $0x80, v4, vm0, $0xb8;
	[tilespmem:$0x10400] =	vst v63  }
0x1b0: {  	s24 =	simm.s32 $0x4C00  }
0x1b1: {  	[tilespmem:s24], [sflag:$0x1] =	stream.indirect_vreg.gather [hbm4b:s2+s3], $0x80, v3, vm0, $0xb8;
	[tilespmem:$0x10400] =	vst v63  }
0x1b2: {  	v3 =	vld [tilespmem:$0x250];
	_ =	sdelay $0x4  }
0x1b3: {  	v61 =	vshll.u32 v3, $0x1  }
0x1b4: {  	v3 =	vand.u32 $0x7, v3;
	v4 =	vand.u32 $0xFFFFFFF0, v61  }
0x1b5: {  	v3 =	vor.u32 v3, v4  }
0x1b6: {  	v4 =	vperm.xlane v3, v0;
	_ =	sdelay $0x1  }
0x1b7: {  	v3 =	vperm.xlane v3, v2;
	v4 =	vadd.s32 v1, v4;
	_ =	sdelay $0x1  }
0x1b8: {  	v3 =	vadd.s32 v1, v3;
	_ =	sdelay $0x2  }
0x1b9: {  	[tilespmem:s17], [sflag:$0x1] =	stream.indirect_vreg.gather [hbm4b:s2+s3], $0x80, v4, vm0, $0xb8;
	[tilespmem:$0x10400] =	vst v63  }
0x1ba: {  	_ = 	snop  }
0x1bb: {  	[tilespmem:s18], [sflag:$0x1] =	stream.indirect_vreg.gather [hbm4b:s2+s3], $0x80, v3, vm0, $0xb8;
	[tilespmem:$0x10400] =	vst v63  }
0x1bc: {  	v3 =	vld [tilespmem:$0x260];
	_ =	sdelay $0x4  }
0x1bd: {  	v62 =	vshll.u32 v3, $0x1  }
0x1be: {  	v3 =	vand.u32 $0x7, v3;
	v4 =	vand.u32 $0xFFFFFFF0, v62  }
0x1bf: {  	v3 =	vor.u32 v3, v4  }
0x1c0: {  	v4 =	vperm.xlane v3, v0;
	_ =	sdelay $0x1  }
0x1c1: {  	v3 =	vperm.xlane v3, v2;
	v4 =	vadd.s32 v1, v4;
	_ =	sdelay $0x1  }
0x1c2: {  	v3 =	vadd.s32 v1, v3;
	_ =	sdelay $0x2  }
0x1c3: {  	[tilespmem:s19], [sflag:$0x1] =	stream.indirect_vreg.gather [hbm4b:s2+s3], $0x80, v4, vm0, $0xb8;
	[tilespmem:$0x10400] =	vst v63  }
0x1c4: {  	_ = 	snop  }
0x1c5: {  	[tilespmem:s20], [sflag:$0x1] =	stream.indirect_vreg.gather [hbm4b:s2+s3], $0x80, v3, vm0, $0xb8;
	[tilespmem:$0x10400] =	vst v63  }
0x1c6: {  	v3 =	vld [tilespmem:$0x270];
	_ =	sdelay $0x4  }
0x1c7: {  	v63 =	vshll.u32 v3, $0x1  }
0x1c8: {  	v3 =	vand.u32 $0x7, v3;
	v4 =	vand.u32 $0xFFFFFFF0, v63  }
0x1c9: {  	v3 =	vor.u32 v3, v4  }
0x1ca: {  	v4 =	vperm.xlane v3, v0;
	_ =	sdelay $0x1  }
0x1cb: {  	v3 =	vperm.xlane v3, v2;
	v4 =	vadd.s32 v1, v4;
	_ =	sdelay $0x1  }
0x1cc: {  	v3 =	vadd.s32 v1, v3;
	_ =	sdelay $0x2  }
0x1cd: {  	[tilespmem:s21], [sflag:$0x1] =	stream.indirect_vreg.gather [hbm4b:s2+s3], $0x80, v4, vm0, $0xb8;
	[tilespmem:$0x10400] =	vst v63  }
0x1ce: {  	_ = 	snop  }
0x1cf: {  	[tilespmem:s23], [sflag:$0x1] =	stream.indirect_vreg.gather [hbm4b:s2+s3], $0x80, v3, vm0, $0xb8;
	[tilespmem:$0x10400] =	vst v63  }
0x1d0: {  	_ =	swait.ge [sflag:s22], $0x8000  }
0x1d1: {  	[sflag:s22] =	ssyncset.done $0x0  }
0x1d2: {  	s5 =	rddreg [dreg:$0x8];
	[sflag:s22] =	ssyncadd.s32 $0xFFFF8000  }
0x1d3: {  	[hbm4b:s5+s3] =	stream.linear.scatter [tilespmem:s16], [sflag:$0x3], $0x8000, $0x38;
	[tilespmem:$0x10400] =	vst v63  }
0x1d4: {  	p0 =	sne.s32 s4, $0x1;
	_ =	swait.ge [sflag:s0], $0x8000  }
.Ltmp0:
0x1d5: {  	[sflag:s0] =	ssyncset.done $0x0;
	(pc) =	sbr.rel @p0 .LBB2_1-.Ltmp0, $4  }
0x1d6: {  	[sflag:s0] =	ssyncadd.s32 $0xFFFF8000  }
0x1d7: {  	_ =	swait.ge [sflag:s1], $0x8000  }
0x1d8: {  	[sflag:s1] =	ssyncset.done $0x0  }
0x1d9: {  	s4 =	sadd.s32 $0xFFFFFFFF, s4;
	[sflag:s1] =	ssyncadd.s32 $0xFFFF8000  }
0x1da: {  	_ =	sfence.sel $0x180000  }
0x1db: {  	[bflag:$0x0] =	sbarrier.arrive $0xFFFF  }
0x1dc: {  	_ =	strace $0x9000004A  }
0x1dd: {  	s0 =	stileid.u32;
	[bflag:$0x2] =	sbarrier.arrive $0xFFFF  }
0x1de: {  	p0 =	sne.s32 s0, $0x0;
	s0 =	rddreg [dreg:$0x2]  }
0x1df: {  	s0 =	sadd.s32 @!p0 $0x100000, s0  }
0x1e0: {  	[sflag:s0] =	ssyncadd.tile.s32 @!p0 $0x1;
	_ =	shalt  }
.Lfunc_end2:
_tile_overlayer_lowered:
.L_overlay_start_2:
0x1e1: {  	(tag) =	ssettag $0x2  }
0x1e2: {  	s0 =	rddreg [dreg:$0x0];
	s2 =	stileid.u32  }
0x1e3: {  	s1 =	rddreg [dreg:$0x1];
	p0 =	sne.s32 s2, $0x0  }
0x1e4: {  	s3 =	rddreg [dreg:$0x2];
	[bflag:$0x3] =	sbarrier.arrive $0xFFFF;
	s2 =	simm.s32 @!p0 $0x1C05  }
0x1e5: {  	[timem:s3], [sflag:s2] =	dma.local @!p0 [hbm:s0], s1  }
0x1e6: {  	s0 =	simm.s32 @!p0 $0x5  }
0x1e7: {  	_ =	swait.ge @!p0 [sflag:s0], s1  }
0x1e8: {  	s1 =	ssub.s32 @!p0 $0x0, s1;
	[sflag:s0] =	ssyncset.done @!p0 $0x0  }
0x1e9: {  	[sflag:s0] =	ssyncadd.s32 @!p0 s1  }
0x1ea: {  	[bflag:$0x3] =	sbarrier.arrive $0xFFFF  }
0x1eb: {  	_ =	shalt  }

</sc_bundles>
